<compile_context>
chip_gen: v7x
topology: tpu7x:2x2x1
jax: 0.10.2.dev20260603
libtpu: 0.0.44.dev20260713+nightly
codegen_flags: <defaults>
</compile_context>

<pallas_src>
import functools

import jax
import jax.numpy as jnp
from jax import lax
from jax.experimental import pallas as pl
from jax.experimental.pallas import tpu as pltpu
from jax.experimental.pallas import tpu_sc as plsc

BATCH = 16384
SEQ = 10
EMBED_DIM = 64
VOCAB = 1000

_NC = 2
_NS = 16
_NW = _NC * _NS
_ROWS = BATCH * SEQ
_RPW = _ROWS // _NW
_CHUNK = 128
_NCH = _RPW // _CHUNK
_NBUF = 4
_LAG = 2


@functools.partial(
    pl.kernel,
    mesh=plsc.VectorSubcoreMesh(core_axis_name="c", subcore_axis_name="s"),
    out_type=jax.ShapeDtypeStruct((_ROWS, EMBED_DIM), jnp.float32),
    scratch_types=[
        pltpu.VMEM((_NCH, _CHUNK), jnp.int32),
        pltpu.VMEM((_NBUF, _CHUNK, EMBED_DIM), jnp.float32),
        pltpu.VMEM_SHARED((VOCAB, EMBED_DIM), jnp.float32),
        pltpu.SemaphoreType.DMA((_NBUF,)),
        pltpu.SemaphoreType.DMA((_NBUF,)),
    ],
    compiler_params=pltpu.CompilerParams(use_tc_tiling_on_sc=False),
)
def _embedding_rows(idx_hbm, table_hbm, out_hbm, idx_v, rows_v, table_v,
                    gsem, wsem):
    wid = lax.axis_index("s") * _NC + lax.axis_index("c")
    r0 = wid * _RPW

    @pl.when(lax.axis_index("s") == 0)
    def _():
        pltpu.sync_copy(table_hbm, table_v)

    pltpu.sync_copy(idx_hbm.at[pl.ds(wid * _NCH, _NCH)], idx_v)
    plsc.subcore_barrier()

    def start_gather(c, buf):
        pltpu.async_copy(table_v.at[idx_v.at[c]], rows_v.at[buf],
                         gsem.at[buf])

    def wait_gather(c, buf):
        pltpu.make_async_copy(table_v.at[idx_v.at[c]], rows_v.at[buf],
                              gsem.at[buf]).wait()

    def start_write(c, buf):
        pltpu.async_copy(rows_v.at[buf],
                         out_hbm.at[pl.ds(r0 + c * _CHUNK, _CHUNK)],
                         wsem.at[buf])

    def wait_write(c, buf):
        pltpu.make_async_copy(rows_v.at[buf],
                              out_hbm.at[pl.ds(r0 + c * _CHUNK, _CHUNK)],
                              wsem.at[buf]).wait()

    @pl.loop(0, _NCH)
    def _chunk(c):
        for buf in range(_NBUF):

            @pl.when((c & (_NBUF - 1)) == buf)
            def _():
                @pl.when(c >= _NBUF)
                def _():
                    wait_write(c - _NBUF, buf)

                start_gather(c, buf)

                wbuf = (buf + _NBUF - _LAG) % _NBUF

                @pl.when(c >= _LAG)
                def _():
                    wait_gather(c - _LAG, wbuf)
                    start_write(c - _LAG, wbuf)

    for c in range(_NCH - _LAG, _NCH):
        wait_gather(c, c % _NBUF)
        start_write(c, c % _NBUF)
    for c in range(_NCH - _NBUF, _NCH):
        wait_write(c, c % _NBUF)


def kernel(inputs, table):
    idx2 = inputs.reshape(_NW * _NCH, _CHUNK)
    out = _embedding_rows(idx2, table)
    return out.reshape(BATCH, SEQ, EMBED_DIM)

# --- scband reference (transcript-rebuilt; emitter-appended) ---
"""Pipeline reference for scband-my-model-87522843559212 (READ-ONLY COPY).

The authoritative reference and input builder live on the scoring server;
editing this copy changes nothing except your own understanding.
"""

import jax, jax.numpy as jnp
import numpy as np

VOCAB = 1000
EMBED_DIM = 64
BATCH = 16384
SEQ = 10

def setup_inputs(seed: int = 0) -> dict:
    key = jax.random.key(seed)
    k_idx, k_tab = jax.random.split(key)
    inputs = jax.random.randint(k_idx, (BATCH, SEQ), 0, VOCAB, dtype=jnp.int32)
    # embeddings_initializer=RandomUniform(minval=0.0, maxval=1.0)
    table = jax.random.uniform(k_tab, (VOCAB, EMBED_DIM), dtype=jnp.float32, minval=0.0, maxval=1.0)
    return {"inputs": inputs, "table": table}

def reference(inputs, table):
    # tf.keras.layers.Embedding lookup: out[b, s, :] = table[inputs[b, s], :]
    return jnp.take(table, inputs, axis=0)

if __name__ == "__main__":
    import jax
    _d = setup_inputs()
    print(jax.jit(kernel)(*tuple(_d.values())))

</pallas_src>

<mosaic_0001>
#map = affine_map<(d0, d1) -> (0, 0)>
module attributes {stable_mosaic.version = 14 : i64} {
  func.func @_embedding_rows(%arg0: i32, %arg1: i32, %arg2: memref<1280x128xi32, #tpu.memory_space<hbm>>, %arg3: memref<1000x64xf32, #tpu.memory_space<hbm>>, %arg4: memref<163840x64xf32, #tpu.memory_space<hbm>>, %arg5: memref<40x128xi32, #tpu.memory_space<vmem>>, %arg6: memref<4x128x64xf32, #tpu.memory_space<vmem>>, %arg7: memref<1000x64xf32, #tpu.memory_space<vmem_shared>>, %arg8: memref<4x!tpu.dma_semaphore, #tpu.memory_space<semaphore_mem>>, %arg9: memref<4x!tpu.dma_semaphore, #tpu.memory_space<semaphore_mem>>) attributes {dimension_semantics = [#tpu.dimension_semantics<core_parallel>, #tpu.dimension_semantics<subcore_parallel>], iteration_bounds = array<i64: 2, 16>, scalar_prefetch = 0 : i64, scratch_operands = 5 : i64, tpu.core_type = #tpu.core_type<sc_vector_subcore>, window_params = [{transform_indices = #map}, {transform_indices = #map}, {transform_indices = #map}]} {
    %mul3A = arith.constant 2 : i32
    %mul3A_0 = arith.muli %arg1, %mul3A : i32
    %add3A = arith.addi %mul3A_0, %arg0 : i32
    %mul3A_1 = arith.constant 5120 : i32
    %mul3A_2 = arith.muli %add3A, %mul3A_1 : i32
    %eq3A = arith.constant 0 : i32
    %eq3A_3 = arith.cmpi eq, %arg1, %eq3A : i32
    %convert_element_type3A = arith.extui %eq3A_3 : i1 to i32
    %cond3A = arith.constant 0 : i32
    %cond3A_4 = arith.cmpi ne, %convert_element_type3A, %cond3A : i32
    scf.if %cond3A_4 {
      "tpu.region"() ({
        %run_scoped3A = tpu.sem_alloc : memref<!tpu.dma_semaphore, #tpu.memory_space<semaphore_mem>>
        tpu.enqueue_dma source(%arg3 : memref<1000x64xf32, #tpu.memory_space<hbm>>) target(%arg7 : memref<1000x64xf32, #tpu.memory_space<vmem_shared>>) target_semaphore(%run_scoped3A : memref<!tpu.dma_semaphore, #tpu.memory_space<semaphore_mem>>)
        tpu.wait_dma2 semaphore(%run_scoped3A : memref<!tpu.dma_semaphore, #tpu.memory_space<semaphore_mem>>) src(%arg3 : memref<1000x64xf32, #tpu.memory_space<hbm>>) dst(%arg7 : memref<1000x64xf32, #tpu.memory_space<vmem_shared>>)
        tpu.yield
      }) : () -> ()
    } else {
    }
    %mul3A_5 = arith.constant 40 : i32
    %mul3A_6 = arith.muli %add3A, %mul3A_5 : i32
    "tpu.region"() ({
      %run_scoped3A = tpu.sem_alloc : memref<!tpu.dma_semaphore, #tpu.memory_space<semaphore_mem>>
      %dma_start3A_147 = arith.constant 0 : i32
      %dma_start3A_148 = tpu.memref_slice %arg2[%mul3A_6, %dma_start3A_147] : memref<1280x128xi32, #tpu.memory_space<hbm>> -> memref<40x128xi32, #tpu.memory_space<hbm>>
      %dma_start3A_149 = arith.constant 0 : i32
      %dma_start3A_150 = tpu.memref_slice %arg2[%mul3A_6, %dma_start3A_149] : memref<1280x128xi32, #tpu.memory_space<hbm>> -> memref<40x128xi32, #tpu.memory_space<hbm>>
      tpu.enqueue_dma source(%dma_start3A_150 : memref<40x128xi32, #tpu.memory_space<hbm>>) target(%arg5 : memref<40x128xi32, #tpu.memory_space<vmem>>) target_semaphore(%run_scoped3A : memref<!tpu.dma_semaphore, #tpu.memory_space<semaphore_mem>>)
      %dma_wait3A_151 = arith.constant 0 : i32
      %dma_wait3A_152 = tpu.memref_slice %arg2[%mul3A_6, %dma_wait3A_151] : memref<1280x128xi32, #tpu.memory_space<hbm>> -> memref<40x128xi32, #tpu.memory_space<hbm>>
      %dma_wait3A_153 = arith.constant 0 : i32
      %dma_wait3A_154 = tpu.memref_slice %arg2[%mul3A_6, %dma_wait3A_153] : memref<1280x128xi32, #tpu.memory_space<hbm>> -> memref<40x128xi32, #tpu.memory_space<hbm>>
      tpu.wait_dma2 semaphore(%run_scoped3A : memref<!tpu.dma_semaphore, #tpu.memory_space<semaphore_mem>>) src(%dma_wait3A_154 : memref<40x128xi32, #tpu.memory_space<hbm>>) dst(%arg5 : memref<40x128xi32, #tpu.memory_space<vmem>>)
      tpu.yield
    }) : () -> ()
    %barrier3A = arith.constant 0 : index
    tpu.barrier barrier_id(%barrier3A)
    %scan3A = arith.constant 0 : i32
    %scan3A_7 = arith.constant 40 : i32
    %scan3A_8 = arith.addi %scan3A, %scan3A_7 : i32
    %scan3A_9 = arith.constant 1 : i32
    scf.for %scan3A_147 = %scan3A to %scan3A_8 step %scan3A_9  : i32 {
      %mul3A_148 = arith.constant 1 : i32
      %mul3A_149 = arith.muli %scan3A_147, %mul3A_148 : i32
      %add3A_150 = arith.constant 0 : i32
      %add3A_151 = arith.addi %add3A_150, %mul3A_149 : i32
      %and3A = arith.constant 3 : i32
      %and3A_152 = arith.andi %add3A_151, %and3A : i32
      %eq3A_153 = arith.constant 0 : i32
      %eq3A_154 = arith.cmpi eq, %and3A_152, %eq3A_153 : i32
      %convert_element_type3A_155 = arith.extui %eq3A_154 : i1 to i32
      %cond3A_156 = arith.constant 0 : i32
      %cond3A_157 = arith.cmpi ne, %convert_element_type3A_155, %cond3A_156 : i32
      scf.if %cond3A_157 {
        %ge3A = arith.constant 4 : i32
        %ge3A_179 = arith.cmpi sge, %add3A_151, %ge3A : i32
        %convert_element_type3A_180 = arith.extui %ge3A_179 : i1 to i32
        %cond3A_181 = arith.constant 0 : i32
        %cond3A_182 = arith.cmpi ne, %convert_element_type3A_180, %cond3A_181 : i32
        scf.if %cond3A_182 {
          %sub3A = arith.constant 4 : i32
          %sub3A_202 = arith.subi %add3A_151, %sub3A : i32
          %mul3A_203 = arith.constant 128 : i32
          %mul3A_204 = arith.muli %sub3A_202, %mul3A_203 : i32
          %add3A_205 = arith.addi %mul3A_2, %mul3A_204 : i32
          %dma_wait3A_206 = arith.constant 0 : i32
          %dma_wait3A_207 = arith.constant 0 : i32
          %dma_wait3A_208 = arith.constant 0 : i32
          %dma_wait3A_209 = arith.constant 0 : i32
          %dma_wait3A_210 = tpu.memref_slice %arg6[%dma_wait3A_206, %dma_wait3A_208, %dma_wait3A_209] : memref<4x128x64xf32, #tpu.memory_space<vmem>> -> memref<1x128x64xf32, #tpu.memory_space<vmem>>
          %dma_wait3A_211 = tpu.memref_squeeze %dma_wait3A_210 : memref<1x128x64xf32, #tpu.memory_space<vmem>> -> memref<128x64xf32, #tpu.memory_space<vmem>>
          %dma_wait3A_212 = arith.constant 0 : i32
          %dma_wait3A_213 = tpu.memref_slice %arg4[%add3A_205, %dma_wait3A_212] : memref<163840x64xf32, #tpu.memory_space<hbm>> -> memref<128x64xf32, #tpu.memory_space<hbm>>
          %dma_wait3A_214 = tpu.memref_slice %arg9[%dma_wait3A_207] : memref<4x!tpu.dma_semaphore, #tpu.memory_space<semaphore_mem>> -> memref<1x!tpu.dma_semaphore, #tpu.memory_space<semaphore_mem>>
          %dma_wait3A_215 = tpu.memref_squeeze %dma_wait3A_214 : memref<1x!tpu.dma_semaphore, #tpu.memory_space<semaphore_mem>> -> memref<!tpu.dma_semaphore, #tpu.memory_space<semaphore_mem>>
          %dma_wait3A_216 = arith.constant 0 : i32
          %dma_wait3A_217 = tpu.memref_slice %arg4[%add3A_205, %dma_wait3A_216] : memref<163840x64xf32, #tpu.memory_space<hbm>> -> memref<128x64xf32, #tpu.memory_space<hbm>>
          %dma_wait3A_218 = arith.constant 0 : i32
          %dma_wait3A_219 = arith.constant 0 : i32
          %dma_wait3A_220 = tpu.memref_slice %arg6[%dma_wait3A_206, %dma_wait3A_218, %dma_wait3A_219] : memref<4x128x64xf32, #tpu.memory_space<vmem>> -> memref<1x128x64xf32, #tpu.memory_space<vmem>>
          %dma_wait3A_221 = tpu.memref_squeeze %dma_wait3A_220 : memref<1x128x64xf32, #tpu.memory_space<vmem>> -> memref<128x64xf32, #tpu.memory_space<vmem>>
          tpu.wait_dma2 semaphore(%dma_wait3A_215 : memref<!tpu.dma_semaphore, #tpu.memory_space<semaphore_mem>>) src(%dma_wait3A_221 : memref<128x64xf32, #tpu.memory_space<vmem>>) dst(%dma_wait3A_217 : memref<128x64xf32, #tpu.memory_space<hbm>>)
        } else {
        }
        %dma_start3A_183 = arith.constant 0 : i32
        %dma_start3A_184 = arith.constant 0 : i32
        %dma_start3A_185 = arith.constant 0 : i32
        %dma_start3A_186 = arith.constant 0 : i32
        %dma_start3A_187 = tpu.memref_slice %arg6[%dma_start3A_183, %dma_start3A_185, %dma_start3A_186] : memref<4x128x64xf32, #tpu.memory_space<vmem>> -> memref<1x128x64xf32, #tpu.memory_space<vmem>>
        %dma_start3A_188 = tpu.memref_squeeze %dma_start3A_187 : memref<1x128x64xf32, #tpu.memory_space<vmem>> -> memref<128x64xf32, #tpu.memory_space<vmem>>
        %dma_start3A_189 = arith.constant 0 : i32
        %dma_start3A_190 = tpu.memref_slice %arg5[%add3A_151, %dma_start3A_189] : memref<40x128xi32, #tpu.memory_space<vmem>> -> memref<1x128xi32, #tpu.memory_space<vmem>>
        %dma_start3A_191 = tpu.memref_squeeze %dma_start3A_190 : memref<1x128xi32, #tpu.memory_space<vmem>> -> memref<128xi32, #tpu.memory_space<vmem>>
        %dma_start3A_192 = arith.constant 0 : i32
        %dma_start3A_193 = arith.constant 0 : i32
        %dma_start3A_194 = tpu.memref_slice %arg7[%dma_start3A_192, %dma_start3A_193] : memref<1000x64xf32, #tpu.memory_space<vmem_shared>> -> memref<1000x64xf32, #tpu.memory_space<vmem_shared>>
        %dma_start3A_195 = tpu.memref_slice %arg8[%dma_start3A_184] : memref<4x!tpu.dma_semaphore, #tpu.memory_space<semaphore_mem>> -> memref<1x!tpu.dma_semaphore, #tpu.memory_space<semaphore_mem>>
        %dma_start3A_196 = tpu.memref_squeeze %dma_start3A_195 : memref<1x!tpu.dma_semaphore, #tpu.memory_space<semaphore_mem>> -> memref<!tpu.dma_semaphore, #tpu.memory_space<semaphore_mem>>
        tpu.enqueue_indirect_dma source(%dma_start3A_194 : memref<1000x64xf32, #tpu.memory_space<vmem_shared>>) target(%dma_start3A_188 : memref<128x64xf32, #tpu.memory_space<vmem>>) offsets(%dma_start3A_191 : memref<128xi32, #tpu.memory_space<vmem>>) semaphore(%dma_start3A_196 : memref<!tpu.dma_semaphore, #tpu.memory_space<semaphore_mem>>)
        %ge3A_197 = arith.constant 2 : i32
        %ge3A_198 = arith.cmpi sge, %add3A_151, %ge3A_197 : i32
        %convert_element_type3A_199 = arith.extui %ge3A_198 : i1 to i32
        %cond3A_200 = arith.constant 0 : i32
        %cond3A_201 = arith.cmpi ne, %convert_element_type3A_199, %cond3A_200 : i32
        scf.if %cond3A_201 {
          %sub3A = arith.constant 2 : i32
          %sub3A_202 = arith.subi %add3A_151, %sub3A : i32
          %dma_wait3A_203 = arith.constant 2 : i32
          %dma_wait3A_204 = arith.constant 2 : i32
          %dma_wait3A_205 = arith.constant 0 : i32
          %dma_wait3A_206 = arith.constant 0 : i32
          %dma_wait3A_207 = tpu.memref_slice %arg6[%dma_wait3A_203, %dma_wait3A_205, %dma_wait3A_206] : memref<4x128x64xf32, #tpu.memory_space<vmem>> -> memref<1x128x64xf32, #tpu.memory_space<vmem>>
          %dma_wait3A_208 = tpu.memref_squeeze %dma_wait3A_207 : memref<1x128x64xf32, #tpu.memory_space<vmem>> -> memref<128x64xf32, #tpu.memory_space<vmem>>
          %dma_wait3A_209 = arith.constant 0 : i32
          %dma_wait3A_210 = tpu.memref_slice %arg5[%sub3A_202, %dma_wait3A_209] : memref<40x128xi32, #tpu.memory_space<vmem>> -> memref<1x128xi32, #tpu.memory_space<vmem>>
          %dma_wait3A_211 = tpu.memref_squeeze %dma_wait3A_210 : memref<1x128xi32, #tpu.memory_space<vmem>> -> memref<128xi32, #tpu.memory_space<vmem>>
          %dma_wait3A_212 = arith.constant 0 : i32
          %dma_wait3A_213 = arith.constant 0 : i32
          %dma_wait3A_214 = tpu.memref_slice %arg7[%dma_wait3A_212, %dma_wait3A_213] : memref<1000x64xf32, #tpu.memory_space<vmem_shared>> -> memref<1000x64xf32, #tpu.memory_space<vmem_shared>>
          %dma_wait3A_215 = tpu.memref_slice %arg8[%dma_wait3A_204] : memref<4x!tpu.dma_semaphore, #tpu.memory_space<semaphore_mem>> -> memref<1x!tpu.dma_semaphore, #tpu.memory_space<semaphore_mem>>
          %dma_wait3A_216 = tpu.memref_squeeze %dma_wait3A_215 : memref<1x!tpu.dma_semaphore, #tpu.memory_space<semaphore_mem>> -> memref<!tpu.dma_semaphore, #tpu.memory_space<semaphore_mem>>
          tpu.wait_indirect_dma semaphore(%dma_wait3A_216 : memref<!tpu.dma_semaphore, #tpu.memory_space<semaphore_mem>>) src(%dma_wait3A_214 : memref<1000x64xf32, #tpu.memory_space<vmem_shared>>) dst(%dma_wait3A_208 : memref<128x64xf32, #tpu.memory_space<vmem>>)
          %sub3A_217 = arith.constant 2 : i32
          %sub3A_218 = arith.subi %add3A_151, %sub3A_217 : i32
          %mul3A_219 = arith.constant 128 : i32
          %mul3A_220 = arith.muli %sub3A_218, %mul3A_219 : i32
          %add3A_221 = arith.addi %mul3A_2, %mul3A_220 : i32
          %dma_start3A_222 = arith.constant 2 : i32
          %dma_start3A_223 = arith.constant 2 : i32
          %dma_start3A_224 = arith.constant 0 : i32
          %dma_start3A_225 = arith.constant 0 : i32
          %dma_start3A_226 = tpu.memref_slice %arg6[%dma_start3A_222, %dma_start3A_224, %dma_start3A_225] : memref<4x128x64xf32, #tpu.memory_space<vmem>> -> memref<1x128x64xf32, #tpu.memory_space<vmem>>
          %dma_start3A_227 = tpu.memref_squeeze %dma_start3A_226 : memref<1x128x64xf32, #tpu.memory_space<vmem>> -> memref<128x64xf32, #tpu.memory_space<vmem>>
          %dma_start3A_228 = arith.constant 0 : i32
          %dma_start3A_229 = tpu.memref_slice %arg4[%add3A_221, %dma_start3A_228] : memref<163840x64xf32, #tpu.memory_space<hbm>> -> memref<128x64xf32, #tpu.memory_space<hbm>>
          %dma_start3A_230 = tpu.memref_slice %arg9[%dma_start3A_223] : memref<4x!tpu.dma_semaphore, #tpu.memory_space<semaphore_mem>> -> memref<1x!tpu.dma_semaphore, #tpu.memory_space<semaphore_mem>>
          %dma_start3A_231 = tpu.memref_squeeze %dma_start3A_230 : memref<1x!tpu.dma_semaphore, #tpu.memory_space<semaphore_mem>> -> memref<!tpu.dma_semaphore, #tpu.memory_space<semaphore_mem>>
          %dma_start3A_232 = arith.constant 0 : i32
          %dma_start3A_233 = tpu.memref_slice %arg4[%add3A_221, %dma_start3A_232] : memref<163840x64xf32, #tpu.memory_space<hbm>> -> memref<128x64xf32, #tpu.memory_space<hbm>>
          %dma_start3A_234 = arith.constant 0 : i32
          %dma_start3A_235 = arith.constant 0 : i32
          %dma_start3A_236 = tpu.memref_slice %arg6[%dma_start3A_222, %dma_start3A_234, %dma_start3A_235] : memref<4x128x64xf32, #tpu.memory_space<vmem>> -> memref<1x128x64xf32, #tpu.memory_space<vmem>>
          %dma_start3A_237 = tpu.memref_squeeze %dma_start3A_236 : memref<1x128x64xf32, #tpu.memory_space<vmem>> -> memref<128x64xf32, #tpu.memory_space<vmem>>
          tpu.enqueue_dma source(%dma_start3A_237 : memref<128x64xf32, #tpu.memory_space<vmem>>) target(%dma_start3A_233 : memref<128x64xf32, #tpu.memory_space<hbm>>) target_semaphore(%dma_start3A_231 : memref<!tpu.dma_semaphore, #tpu.memory_space<semaphore_mem>>)
        } else {
        }
      } else {
      }
      %and3A_158 = arith.constant 3 : i32
      %and3A_159 = arith.andi %add3A_151, %and3A_158 : i32
      %eq3A_160 = arith.constant 1 : i32
      %eq3A_161 = arith.cmpi eq, %and3A_159, %eq3A_160 : i32
      %convert_element_type3A_162 = arith.extui %eq3A_161 : i1 to i32
      %cond3A_163 = arith.constant 0 : i32
      %cond3A_164 = arith.cmpi ne, %convert_element_type3A_162, %cond3A_163 : i32
      scf.if %cond3A_164 {
        %ge3A = arith.constant 4 : i32
        %ge3A_179 = arith.cmpi sge, %add3A_151, %ge3A : i32
        %convert_element_type3A_180 = arith.extui %ge3A_179 : i1 to i32
        %cond3A_181 = arith.constant 0 : i32
        %cond3A_182 = arith.cmpi ne, %convert_element_type3A_180, %cond3A_181 : i32
        scf.if %cond3A_182 {
          %sub3A = arith.constant 4 : i32
          %sub3A_202 = arith.subi %add3A_151, %sub3A : i32
          %mul3A_203 = arith.constant 128 : i32
          %mul3A_204 = arith.muli %sub3A_202, %mul3A_203 : i32
          %add3A_205 = arith.addi %mul3A_2, %mul3A_204 : i32
          %dma_wait3A_206 = arith.constant 1 : i32
          %dma_wait3A_207 = arith.constant 1 : i32
          %dma_wait3A_208 = arith.constant 0 : i32
          %dma_wait3A_209 = arith.constant 0 : i32
          %dma_wait3A_210 = tpu.memref_slice %arg6[%dma_wait3A_206, %dma_wait3A_208, %dma_wait3A_209] : memref<4x128x64xf32, #tpu.memory_space<vmem>> -> memref<1x128x64xf32, #tpu.memory_space<vmem>>
          %dma_wait3A_211 = tpu.memref_squeeze %dma_wait3A_210 : memref<1x128x64xf32, #tpu.memory_space<vmem>> -> memref<128x64xf32, #tpu.memory_space<vmem>>
          %dma_wait3A_212 = arith.constant 0 : i32
          %dma_wait3A_213 = tpu.memref_slice %arg4[%add3A_205, %dma_wait3A_212] : memref<163840x64xf32, #tpu.memory_space<hbm>> -> memref<128x64xf32, #tpu.memory_space<hbm>>
          %dma_wait3A_214 = tpu.memref_slice %arg9[%dma_wait3A_207] : memref<4x!tpu.dma_semaphore, #tpu.memory_space<semaphore_mem>> -> memref<1x!tpu.dma_semaphore, #tpu.memory_space<semaphore_mem>>
          %dma_wait3A_215 = tpu.memref_squeeze %dma_wait3A_214 : memref<1x!tpu.dma_semaphore, #tpu.memory_space<semaphore_mem>> -> memref<!tpu.dma_semaphore, #tpu.memory_space<semaphore_mem>>
          %dma_wait3A_216 = arith.constant 0 : i32
          %dma_wait3A_217 = tpu.memref_slice %arg4[%add3A_205, %dma_wait3A_216] : memref<163840x64xf32, #tpu.memory_space<hbm>> -> memref<128x64xf32, #tpu.memory_space<hbm>>
          %dma_wait3A_218 = arith.constant 0 : i32
          %dma_wait3A_219 = arith.constant 0 : i32
          %dma_wait3A_220 = tpu.memref_slice %arg6[%dma_wait3A_206, %dma_wait3A_218, %dma_wait3A_219] : memref<4x128x64xf32, #tpu.memory_space<vmem>> -> memref<1x128x64xf32, #tpu.memory_space<vmem>>
          %dma_wait3A_221 = tpu.memref_squeeze %dma_wait3A_220 : memref<1x128x64xf32, #tpu.memory_space<vmem>> -> memref<128x64xf32, #tpu.memory_space<vmem>>
          tpu.wait_dma2 semaphore(%dma_wait3A_215 : memref<!tpu.dma_semaphore, #tpu.memory_space<semaphore_mem>>) src(%dma_wait3A_221 : memref<128x64xf32, #tpu.memory_space<vmem>>) dst(%dma_wait3A_217 : memref<128x64xf32, #tpu.memory_space<hbm>>)
        } else {
        }
        %dma_start3A_183 = arith.constant 1 : i32
        %dma_start3A_184 = arith.constant 1 : i32
        %dma_start3A_185 = arith.constant 0 : i32
        %dma_start3A_186 = arith.constant 0 : i32
        %dma_start3A_187 = tpu.memref_slice %arg6[%dma_start3A_183, %dma_start3A_185, %dma_start3A_186] : memref<4x128x64xf32, #tpu.memory_space<vmem>> -> memref<1x128x64xf32, #tpu.memory_space<vmem>>
        %dma_start3A_188 = tpu.memref_squeeze %dma_start3A_187 : memref<1x128x64xf32, #tpu.memory_space<vmem>> -> memref<128x64xf32, #tpu.memory_space<vmem>>
        %dma_start3A_189 = arith.constant 0 : i32
        %dma_start3A_190 = tpu.memref_slice %arg5[%add3A_151, %dma_start3A_189] : memref<40x128xi32, #tpu.memory_space<vmem>> -> memref<1x128xi32, #tpu.memory_space<vmem>>
        %dma_start3A_191 = tpu.memref_squeeze %dma_start3A_190 : memref<1x128xi32, #tpu.memory_space<vmem>> -> memref<128xi32, #tpu.memory_space<vmem>>
        %dma_start3A_192 = arith.constant 0 : i32
        %dma_start3A_193 = arith.constant 0 : i32
        %dma_start3A_194 = tpu.memref_slice %arg7[%dma_start3A_192, %dma_start3A_193] : memref<1000x64xf32, #tpu.memory_space<vmem_shared>> -> memref<1000x64xf32, #tpu.memory_space<vmem_shared>>
        %dma_start3A_195 = tpu.memref_slice %arg8[%dma_start3A_184] : memref<4x!tpu.dma_semaphore, #tpu.memory_space<semaphore_mem>> -> memref<1x!tpu.dma_semaphore, #tpu.memory_space<semaphore_mem>>
        %dma_start3A_196 = tpu.memref_squeeze %dma_start3A_195 : memref<1x!tpu.dma_semaphore, #tpu.memory_space<semaphore_mem>> -> memref<!tpu.dma_semaphore, #tpu.memory_space<semaphore_mem>>
        tpu.enqueue_indirect_dma source(%dma_start3A_194 : memref<1000x64xf32, #tpu.memory_space<vmem_shared>>) target(%dma_start3A_188 : memref<128x64xf32, #tpu.memory_space<vmem>>) offsets(%dma_start3A_191 : memref<128xi32, #tpu.memory_space<vmem>>) semaphore(%dma_start3A_196 : memref<!tpu.dma_semaphore, #tpu.memory_space<semaphore_mem>>)
        %ge3A_197 = arith.constant 2 : i32
        %ge3A_198 = arith.cmpi sge, %add3A_151, %ge3A_197 : i32
        %convert_element_type3A_199 = arith.extui %ge3A_198 : i1 to i32
        %cond3A_200 = arith.constant 0 : i32
        %cond3A_201 = arith.cmpi ne, %convert_element_type3A_199, %cond3A_200 : i32
        scf.if %cond3A_201 {
          %sub3A = arith.constant 2 : i32
          %sub3A_202 = arith.subi %add3A_151, %sub3A : i32
          %dma_wait3A_203 = arith.constant 3 : i32
          %dma_wait3A_204 = arith.constant 3 : i32
          %dma_wait3A_205 = arith.constant 0 : i32
          %dma_wait3A_206 = arith.constant 0 : i32
          %dma_wait3A_207 = tpu.memref_slice %arg6[%dma_wait3A_203, %dma_wait3A_205, %dma_wait3A_206] : memref<4x128x64xf32, #tpu.memory_space<vmem>> -> memref<1x128x64xf32, #tpu.memory_space<vmem>>
          %dma_wait3A_208 = tpu.memref_squeeze %dma_wait3A_207 : memref<1x128x64xf32, #tpu.memory_space<vmem>> -> memref<128x64xf32, #tpu.memory_space<vmem>>
          %dma_wait3A_209 = arith.constant 0 : i32
          %dma_wait3A_210 = tpu.memref_slice %arg5[%sub3A_202, %dma_wait3A_209] : memref<40x128xi32, #tpu.memory_space<vmem>> -> memref<1x128xi32, #tpu.memory_space<vmem>>
          %dma_wait3A_211 = tpu.memref_squeeze %dma_wait3A_210 : memref<1x128xi32, #tpu.memory_space<vmem>> -> memref<128xi32, #tpu.memory_space<vmem>>
          %dma_wait3A_212 = arith.constant 0 : i32
          %dma_wait3A_213 = arith.constant 0 : i32
          %dma_wait3A_214 = tpu.memref_slice %arg7[%dma_wait3A_212, %dma_wait3A_213] : memref<1000x64xf32, #tpu.memory_space<vmem_shared>> -> memref<1000x64xf32, #tpu.memory_space<vmem_shared>>
          %dma_wait3A_215 = tpu.memref_slice %arg8[%dma_wait3A_204] : memref<4x!tpu.dma_semaphore, #tpu.memory_space<semaphore_mem>> -> memref<1x!tpu.dma_semaphore, #tpu.memory_space<semaphore_mem>>
          %dma_wait3A_216 = tpu.memref_squeeze %dma_wait3A_215 : memref<1x!tpu.dma_semaphore, #tpu.memory_space<semaphore_mem>> -> memref<!tpu.dma_semaphore, #tpu.memory_space<semaphore_mem>>
          tpu.wait_indirect_dma semaphore(%dma_wait3A_216 : memref<!tpu.dma_semaphore, #tpu.memory_space<semaphore_mem>>) src(%dma_wait3A_214 : memref<1000x64xf32, #tpu.memory_space<vmem_shared>>) dst(%dma_wait3A_208 : memref<128x64xf32, #tpu.memory_space<vmem>>)
          %sub3A_217 = arith.constant 2 : i32
          %sub3A_218 = arith.subi %add3A_151, %sub3A_217 : i32
          %mul3A_219 = arith.constant 128 : i32
          %mul3A_220 = arith.muli %sub3A_218, %mul3A_219 : i32
          %add3A_221 = arith.addi %mul3A_2, %mul3A_220 : i32
          %dma_start3A_222 = arith.constant 3 : i32
          %dma_start3A_223 = arith.constant 3 : i32
          %dma_start3A_224 = arith.constant 0 : i32
          %dma_start3A_225 = arith.constant 0 : i32
          %dma_start3A_226 = tpu.memref_slice %arg6[%dma_start3A_222, %dma_start3A_224, %dma_start3A_225] : memref<4x128x64xf32, #tpu.memory_space<vmem>> -> memref<1x128x64xf32, #tpu.memory_space<vmem>>
          %dma_start3A_227 = tpu.memref_squeeze %dma_start3A_226 : memref<1x128x64xf32, #tpu.memory_space<vmem>> -> memref<128x64xf32, #tpu.memory_space<vmem>>
          %dma_start3A_228 = arith.constant 0 : i32
          %dma_start3A_229 = tpu.memref_slice %arg4[%add3A_221, %dma_start3A_228] : memref<163840x64xf32, #tpu.memory_space<hbm>> -> memref<128x64xf32, #tpu.memory_space<hbm>>
          %dma_start3A_230 = tpu.memref_slice %arg9[%dma_start3A_223] : memref<4x!tpu.dma_semaphore, #tpu.memory_space<semaphore_mem>> -> memref<1x!tpu.dma_semaphore, #tpu.memory_space<semaphore_mem>>
          %dma_start3A_231 = tpu.memref_squeeze %dma_start3A_230 : memref<1x!tpu.dma_semaphore, #tpu.memory_space<semaphore_mem>> -> memref<!tpu.dma_semaphore, #tpu.memory_space<semaphore_mem>>
          %dma_start3A_232 = arith.constant 0 : i32
          %dma_start3A_233 = tpu.memref_slice %arg4[%add3A_221, %dma_start3A_232] : memref<163840x64xf32, #tpu.memory_space<hbm>> -> memref<128x64xf32, #tpu.memory_space<hbm>>
          %dma_start3A_234 = arith.constant 0 : i32
          %dma_start3A_235 = arith.constant 0 : i32
          %dma_start3A_236 = tpu.memref_slice %arg6[%dma_start3A_222, %dma_start3A_234, %dma_start3A_235] : memref<4x128x64xf32, #tpu.memory_space<vmem>> -> memref<1x128x64xf32, #tpu.memory_space<vmem>>
          %dma_start3A_237 = tpu.memref_squeeze %dma_start3A_236 : memref<1x128x64xf32, #tpu.memory_space<vmem>> -> memref<128x64xf32, #tpu.memory_space<vmem>>
          tpu.enqueue_dma source(%dma_start3A_237 : memref<128x64xf32, #tpu.memory_space<vmem>>) target(%dma_start3A_233 : memref<128x64xf32, #tpu.memory_space<hbm>>) target_semaphore(%dma_start3A_231 : memref<!tpu.dma_semaphore, #tpu.memory_space<semaphore_mem>>)
        } else {
        }
      } else {
      }
      %and3A_165 = arith.constant 3 : i32
      %and3A_166 = arith.andi %add3A_151, %and3A_165 : i32
      %eq3A_167 = arith.constant 2 : i32
      %eq3A_168 = arith.cmpi eq, %and3A_166, %eq3A_167 : i32
      %convert_element_type3A_169 = arith.extui %eq3A_168 : i1 to i32
      %cond3A_170 = arith.constant 0 : i32
      %cond3A_171 = arith.cmpi ne, %convert_element_type3A_169, %cond3A_170 : i32
      scf.if %cond3A_171 {
        %ge3A = arith.constant 4 : i32
        %ge3A_179 = arith.cmpi sge, %add3A_151, %ge3A : i32
        %convert_element_type3A_180 = arith.extui %ge3A_179 : i1 to i32
        %cond3A_181 = arith.constant 0 : i32
        %cond3A_182 = arith.cmpi ne, %convert_element_type3A_180, %cond3A_181 : i32
        scf.if %cond3A_182 {
          %sub3A = arith.constant 4 : i32
          %sub3A_202 = arith.subi %add3A_151, %sub3A : i32
          %mul3A_203 = arith.constant 128 : i32
          %mul3A_204 = arith.muli %sub3A_202, %mul3A_203 : i32
          %add3A_205 = arith.addi %mul3A_2, %mul3A_204 : i32
          %dma_wait3A_206 = arith.constant 2 : i32
          %dma_wait3A_207 = arith.constant 2 : i32
          %dma_wait3A_208 = arith.constant 0 : i32
          %dma_wait3A_209 = arith.constant 0 : i32
          %dma_wait3A_210 = tpu.memref_slice %arg6[%dma_wait3A_206, %dma_wait3A_208, %dma_wait3A_209] : memref<4x128x64xf32, #tpu.memory_space<vmem>> -> memref<1x128x64xf32, #tpu.memory_space<vmem>>
          %dma_wait3A_211 = tpu.memref_squeeze %dma_wait3A_210 : memref<1x128x64xf32, #tpu.memory_space<vmem>> -> memref<128x64xf32, #tpu.memory_space<vmem>>
          %dma_wait3A_212 = arith.constant 0 : i32
          %dma_wait3A_213 = tpu.memref_slice %arg4[%add3A_205, %dma_wait3A_212] : memref<163840x64xf32, #tpu.memory_space<hbm>> -> memref<128x64xf32, #tpu.memory_space<hbm>>
          %dma_wait3A_214 = tpu.memref_slice %arg9[%dma_wait3A_207] : memref<4x!tpu.dma_semaphore, #tpu.memory_space<semaphore_mem>> -> memref<1x!tpu.dma_semaphore, #tpu.memory_space<semaphore_mem>>
          %dma_wait3A_215 = tpu.memref_squeeze %dma_wait3A_214 : memref<1x!tpu.dma_semaphore, #tpu.memory_space<semaphore_mem>> -> memref<!tpu.dma_semaphore, #tpu.memory_space<semaphore_mem>>
          %dma_wait3A_216 = arith.constant 0 : i32
          %dma_wait3A_217 = tpu.memref_slice %arg4[%add3A_205, %dma_wait3A_216] : memref<163840x64xf32, #tpu.memory_space<hbm>> -> memref<128x64xf32, #tpu.memory_space<hbm>>
          %dma_wait3A_218 = arith.constant 0 : i32
          %dma_wait3A_219 = arith.constant 0 : i32
          %dma_wait3A_220 = tpu.memref_slice %arg6[%dma_wait3A_206, %dma_wait3A_218, %dma_wait3A_219] : memref<4x128x64xf32, #tpu.memory_space<vmem>> -> memref<1x128x64xf32, #tpu.memory_space<vmem>>
          %dma_wait3A_221 = tpu.memref_squeeze %dma_wait3A_220 : memref<1x128x64xf32, #tpu.memory_space<vmem>> -> memref<128x64xf32, #tpu.memory_space<vmem>>
          tpu.wait_dma2 semaphore(%dma_wait3A_215 : memref<!tpu.dma_semaphore, #tpu.memory_space<semaphore_mem>>) src(%dma_wait3A_221 : memref<128x64xf32, #tpu.memory_space<vmem>>) dst(%dma_wait3A_217 : memref<128x64xf32, #tpu.memory_space<hbm>>)
        } else {
        }
        %dma_start3A_183 = arith.constant 2 : i32
        %dma_start3A_184 = arith.constant 2 : i32
        %dma_start3A_185 = arith.constant 0 : i32
        %dma_start3A_186 = arith.constant 0 : i32
        %dma_start3A_187 = tpu.memref_slice %arg6[%dma_start3A_183, %dma_start3A_185, %dma_start3A_186] : memref<4x128x64xf32, #tpu.memory_space<vmem>> -> memref<1x128x64xf32, #tpu.memory_space<vmem>>
        %dma_start3A_188 = tpu.memref_squeeze %dma_start3A_187 : memref<1x128x64xf32, #tpu.memory_space<vmem>> -> memref<128x64xf32, #tpu.memory_space<vmem>>
        %dma_start3A_189 = arith.constant 0 : i32
        %dma_start3A_190 = tpu.memref_slice %arg5[%add3A_151, %dma_start3A_189] : memref<40x128xi32, #tpu.memory_space<vmem>> -> memref<1x128xi32, #tpu.memory_space<vmem>>
        %dma_start3A_191 = tpu.memref_squeeze %dma_start3A_190 : memref<1x128xi32, #tpu.memory_space<vmem>> -> memref<128xi32, #tpu.memory_space<vmem>>
        %dma_start3A_192 = arith.constant 0 : i32
        %dma_start3A_193 = arith.constant 0 : i32
        %dma_start3A_194 = tpu.memref_slice %arg7[%dma_start3A_192, %dma_start3A_193] : memref<1000x64xf32, #tpu.memory_space<vmem_shared>> -> memref<1000x64xf32, #tpu.memory_space<vmem_shared>>
        %dma_start3A_195 = tpu.memref_slice %arg8[%dma_start3A_184] : memref<4x!tpu.dma_semaphore, #tpu.memory_space<semaphore_mem>> -> memref<1x!tpu.dma_semaphore, #tpu.memory_space<semaphore_mem>>
        %dma_start3A_196 = tpu.memref_squeeze %dma_start3A_195 : memref<1x!tpu.dma_semaphore, #tpu.memory_space<semaphore_mem>> -> memref<!tpu.dma_semaphore, #tpu.memory_space<semaphore_mem>>
        tpu.enqueue_indirect_dma source(%dma_start3A_194 : memref<1000x64xf32, #tpu.memory_space<vmem_shared>>) target(%dma_start3A_188 : memref<128x64xf32, #tpu.memory_space<vmem>>) offsets(%dma_start3A_191 : memref<128xi32, #tpu.memory_space<vmem>>) semaphore(%dma_start3A_196 : memref<!tpu.dma_semaphore, #tpu.memory_space<semaphore_mem>>)
        %ge3A_197 = arith.constant 2 : i32
        %ge3A_198 = arith.cmpi sge, %add3A_151, %ge3A_197 : i32
        %convert_element_type3A_199 = arith.extui %ge3A_198 : i1 to i32
        %cond3A_200 = arith.constant 0 : i32
        %cond3A_201 = arith.cmpi ne, %convert_element_type3A_199, %cond3A_200 : i32
        scf.if %cond3A_201 {
          %sub3A = arith.constant 2 : i32
          %sub3A_202 = arith.subi %add3A_151, %sub3A : i32
          %dma_wait3A_203 = arith.constant 0 : i32
          %dma_wait3A_204 = arith.constant 0 : i32
          %dma_wait3A_205 = arith.constant 0 : i32
          %dma_wait3A_206 = arith.constant 0 : i32
          %dma_wait3A_207 = tpu.memref_slice %arg6[%dma_wait3A_203, %dma_wait3A_205, %dma_wait3A_206] : memref<4x128x64xf32, #tpu.memory_space<vmem>> -> memref<1x128x64xf32, #tpu.memory_space<vmem>>
          %dma_wait3A_208 = tpu.memref_squeeze %dma_wait3A_207 : memref<1x128x64xf32, #tpu.memory_space<vmem>> -> memref<128x64xf32, #tpu.memory_space<vmem>>
          %dma_wait3A_209 = arith.constant 0 : i32
          %dma_wait3A_210 = tpu.memref_slice %arg5[%sub3A_202, %dma_wait3A_209] : memref<40x128xi32, #tpu.memory_space<vmem>> -> memref<1x128xi32, #tpu.memory_space<vmem>>
          %dma_wait3A_211 = tpu.memref_squeeze %dma_wait3A_210 : memref<1x128xi32, #tpu.memory_space<vmem>> -> memref<128xi32, #tpu.memory_space<vmem>>
          %dma_wait3A_212 = arith.constant 0 : i32
          %dma_wait3A_213 = arith.constant 0 : i32
          %dma_wait3A_214 = tpu.memref_slice %arg7[%dma_wait3A_212, %dma_wait3A_213] : memref<1000x64xf32, #tpu.memory_space<vmem_shared>> -> memref<1000x64xf32, #tpu.memory_space<vmem_shared>>
          %dma_wait3A_215 = tpu.memref_slice %arg8[%dma_wait3A_204] : memref<4x!tpu.dma_semaphore, #tpu.memory_space<semaphore_mem>> -> memref<1x!tpu.dma_semaphore, #tpu.memory_space<semaphore_mem>>
          %dma_wait3A_216 = tpu.memref_squeeze %dma_wait3A_215 : memref<1x!tpu.dma_semaphore, #tpu.memory_space<semaphore_mem>> -> memref<!tpu.dma_semaphore, #tpu.memory_space<semaphore_mem>>
          tpu.wait_indirect_dma semaphore(%dma_wait3A_216 : memref<!tpu.dma_semaphore, #tpu.memory_space<semaphore_mem>>) src(%dma_wait3A_214 : memref<1000x64xf32, #tpu.memory_space<vmem_shared>>) dst(%dma_wait3A_208 : memref<128x64xf32, #tpu.memory_space<vmem>>)
          %sub3A_217 = arith.constant 2 : i32
          %sub3A_218 = arith.subi %add3A_151, %sub3A_217 : i32
          %mul3A_219 = arith.constant 128 : i32
          %mul3A_220 = arith.muli %sub3A_218, %mul3A_219 : i32
          %add3A_221 = arith.addi %mul3A_2, %mul3A_220 : i32
          %dma_start3A_222 = arith.constant 0 : i32
          %dma_start3A_223 = arith.constant 0 : i32
          %dma_start3A_224 = arith.constant 0 : i32
          %dma_start3A_225 = arith.constant 0 : i32
          %dma_start3A_226 = tpu.memref_slice %arg6[%dma_start3A_222, %dma_start3A_224, %dma_start3A_225] : memref<4x128x64xf32, #tpu.memory_space<vmem>> -> memref<1x128x64xf32, #tpu.memory_space<vmem>>
          %dma_start3A_227 = tpu.memref_squeeze %dma_start3A_226 : memref<1x128x64xf32, #tpu.memory_space<vmem>> -> memref<128x64xf32, #tpu.memory_space<vmem>>
          %dma_start3A_228 = arith.constant 0 : i32
          %dma_start3A_229 = tpu.memref_slice %arg4[%add3A_221, %dma_start3A_228] : memref<163840x64xf32, #tpu.memory_space<hbm>> -> memref<128x64xf32, #tpu.memory_space<hbm>>
          %dma_start3A_230 = tpu.memref_slice %arg9[%dma_start3A_223] : memref<4x!tpu.dma_semaphore, #tpu.memory_space<semaphore_mem>> -> memref<1x!tpu.dma_semaphore, #tpu.memory_space<semaphore_mem>>
          %dma_start3A_231 = tpu.memref_squeeze %dma_start3A_230 : memref<1x!tpu.dma_semaphore, #tpu.memory_space<semaphore_mem>> -> memref<!tpu.dma_semaphore, #tpu.memory_space<semaphore_mem>>
          %dma_start3A_232 = arith.constant 0 : i32
          %dma_start3A_233 = tpu.memref_slice %arg4[%add3A_221, %dma_start3A_232] : memref<163840x64xf32, #tpu.memory_space<hbm>> -> memref<128x64xf32, #tpu.memory_space<hbm>>
          %dma_start3A_234 = arith.constant 0 : i32
          %dma_start3A_235 = arith.constant 0 : i32
          %dma_start3A_236 = tpu.memref_slice %arg6[%dma_start3A_222, %dma_start3A_234, %dma_start3A_235] : memref<4x128x64xf32, #tpu.memory_space<vmem>> -> memref<1x128x64xf32, #tpu.memory_space<vmem>>
          %dma_start3A_237 = tpu.memref_squeeze %dma_start3A_236 : memref<1x128x64xf32, #tpu.memory_space<vmem>> -> memref<128x64xf32, #tpu.memory_space<vmem>>
          tpu.enqueue_dma source(%dma_start3A_237 : memref<128x64xf32, #tpu.memory_space<vmem>>) target(%dma_start3A_233 : memref<128x64xf32, #tpu.memory_space<hbm>>) target_semaphore(%dma_start3A_231 : memref<!tpu.dma_semaphore, #tpu.memory_space<semaphore_mem>>)
        } else {
        }
      } else {
      }
      %and3A_172 = arith.constant 3 : i32
      %and3A_173 = arith.andi %add3A_151, %and3A_172 : i32
      %eq3A_174 = arith.constant 3 : i32
      %eq3A_175 = arith.cmpi eq, %and3A_173, %eq3A_174 : i32
      %convert_element_type3A_176 = arith.extui %eq3A_175 : i1 to i32
      %cond3A_177 = arith.constant 0 : i32
      %cond3A_178 = arith.cmpi ne, %convert_element_type3A_176, %cond3A_177 : i32
      scf.if %cond3A_178 {
        %ge3A = arith.constant 4 : i32
        %ge3A_179 = arith.cmpi sge, %add3A_151, %ge3A : i32
        %convert_element_type3A_180 = arith.extui %ge3A_179 : i1 to i32
        %cond3A_181 = arith.constant 0 : i32
        %cond3A_182 = arith.cmpi ne, %convert_element_type3A_180, %cond3A_181 : i32
        scf.if %cond3A_182 {
          %sub3A = arith.constant 4 : i32
          %sub3A_202 = arith.subi %add3A_151, %sub3A : i32
          %mul3A_203 = arith.constant 128 : i32
          %mul3A_204 = arith.muli %sub3A_202, %mul3A_203 : i32
          %add3A_205 = arith.addi %mul3A_2, %mul3A_204 : i32
          %dma_wait3A_206 = arith.constant 3 : i32
          %dma_wait3A_207 = arith.constant 3 : i32
          %dma_wait3A_208 = arith.constant 0 : i32
          %dma_wait3A_209 = arith.constant 0 : i32
          %dma_wait3A_210 = tpu.memref_slice %arg6[%dma_wait3A_206, %dma_wait3A_208, %dma_wait3A_209] : memref<4x128x64xf32, #tpu.memory_space<vmem>> -> memref<1x128x64xf32, #tpu.memory_space<vmem>>
          %dma_wait3A_211 = tpu.memref_squeeze %dma_wait3A_210 : memref<1x128x64xf32, #tpu.memory_space<vmem>> -> memref<128x64xf32, #tpu.memory_space<vmem>>
          %dma_wait3A_212 = arith.constant 0 : i32
          %dma_wait3A_213 = tpu.memref_slice %arg4[%add3A_205, %dma_wait3A_212] : memref<163840x64xf32, #tpu.memory_space<hbm>> -> memref<128x64xf32, #tpu.memory_space<hbm>>
          %dma_wait3A_214 = tpu.memref_slice %arg9[%dma_wait3A_207] : memref<4x!tpu.dma_semaphore, #tpu.memory_space<semaphore_mem>> -> memref<1x!tpu.dma_semaphore, #tpu.memory_space<semaphore_mem>>
          %dma_wait3A_215 = tpu.memref_squeeze %dma_wait3A_214 : memref<1x!tpu.dma_semaphore, #tpu.memory_space<semaphore_mem>> -> memref<!tpu.dma_semaphore, #tpu.memory_space<semaphore_mem>>
          %dma_wait3A_216 = arith.constant 0 : i32
          %dma_wait3A_217 = tpu.memref_slice %arg4[%add3A_205, %dma_wait3A_216] : memref<163840x64xf32, #tpu.memory_space<hbm>> -> memref<128x64xf32, #tpu.memory_space<hbm>>
          %dma_wait3A_218 = arith.constant 0 : i32
          %dma_wait3A_219 = arith.constant 0 : i32
          %dma_wait3A_220 = tpu.memref_slice %arg6[%dma_wait3A_206, %dma_wait3A_218, %dma_wait3A_219] : memref<4x128x64xf32, #tpu.memory_space<vmem>> -> memref<1x128x64xf32, #tpu.memory_space<vmem>>
          %dma_wait3A_221 = tpu.memref_squeeze %dma_wait3A_220 : memref<1x128x64xf32, #tpu.memory_space<vmem>> -> memref<128x64xf32, #tpu.memory_space<vmem>>
          tpu.wait_dma2 semaphore(%dma_wait3A_215 : memref<!tpu.dma_semaphore, #tpu.memory_space<semaphore_mem>>) src(%dma_wait3A_221 : memref<128x64xf32, #tpu.memory_space<vmem>>) dst(%dma_wait3A_217 : memref<128x64xf32, #tpu.memory_space<hbm>>)
        } else {
        }
        %dma_start3A_183 = arith.constant 3 : i32
        %dma_start3A_184 = arith.constant 3 : i32
        %dma_start3A_185 = arith.constant 0 : i32
        %dma_start3A_186 = arith.constant 0 : i32
        %dma_start3A_187 = tpu.memref_slice %arg6[%dma_start3A_183, %dma_start3A_185, %dma_start3A_186] : memref<4x128x64xf32, #tpu.memory_space<vmem>> -> memref<1x128x64xf32, #tpu.memory_space<vmem>>
        %dma_start3A_188 = tpu.memref_squeeze %dma_start3A_187 : memref<1x128x64xf32, #tpu.memory_space<vmem>> -> memref<128x64xf32, #tpu.memory_space<vmem>>
        %dma_start3A_189 = arith.constant 0 : i32
        %dma_start3A_190 = tpu.memref_slice %arg5[%add3A_151, %dma_start3A_189] : memref<40x128xi32, #tpu.memory_space<vmem>> -> memref<1x128xi32, #tpu.memory_space<vmem>>
        %dma_start3A_191 = tpu.memref_squeeze %dma_start3A_190 : memref<1x128xi32, #tpu.memory_space<vmem>> -> memref<128xi32, #tpu.memory_space<vmem>>
        %dma_start3A_192 = arith.constant 0 : i32
        %dma_start3A_193 = arith.constant 0 : i32
        %dma_start3A_194 = tpu.memref_slice %arg7[%dma_start3A_192, %dma_start3A_193] : memref<1000x64xf32, #tpu.memory_space<vmem_shared>> -> memref<1000x64xf32, #tpu.memory_space<vmem_shared>>
        %dma_start3A_195 = tpu.memref_slice %arg8[%dma_start3A_184] : memref<4x!tpu.dma_semaphore, #tpu.memory_space<semaphore_mem>> -> memref<1x!tpu.dma_semaphore, #tpu.memory_space<semaphore_mem>>
        %dma_start3A_196 = tpu.memref_squeeze %dma_start3A_195 : memref<1x!tpu.dma_semaphore, #tpu.memory_space<semaphore_mem>> -> memref<!tpu.dma_semaphore, #tpu.memory_space<semaphore_mem>>
        tpu.enqueue_indirect_dma source(%dma_start3A_194 : memref<1000x64xf32, #tpu.memory_space<vmem_shared>>) target(%dma_start3A_188 : memref<128x64xf32, #tpu.memory_space<vmem>>) offsets(%dma_start3A_191 : memref<128xi32, #tpu.memory_space<vmem>>) semaphore(%dma_start3A_196 : memref<!tpu.dma_semaphore, #tpu.memory_space<semaphore_mem>>)
        %ge3A_197 = arith.constant 2 : i32
        %ge3A_198 = arith.cmpi sge, %add3A_151, %ge3A_197 : i32
        %convert_element_type3A_199 = arith.extui %ge3A_198 : i1 to i32
        %cond3A_200 = arith.constant 0 : i32
        %cond3A_201 = arith.cmpi ne, %convert_element_type3A_199, %cond3A_200 : i32
        scf.if %cond3A_201 {
          %sub3A = arith.constant 2 : i32
          %sub3A_202 = arith.subi %add3A_151, %sub3A : i32
          %dma_wait3A_203 = arith.constant 1 : i32
          %dma_wait3A_204 = arith.constant 1 : i32
          %dma_wait3A_205 = arith.constant 0 : i32
          %dma_wait3A_206 = arith.constant 0 : i32
          %dma_wait3A_207 = tpu.memref_slice %arg6[%dma_wait3A_203, %dma_wait3A_205, %dma_wait3A_206] : memref<4x128x64xf32, #tpu.memory_space<vmem>> -> memref<1x128x64xf32, #tpu.memory_space<vmem>>
          %dma_wait3A_208 = tpu.memref_squeeze %dma_wait3A_207 : memref<1x128x64xf32, #tpu.memory_space<vmem>> -> memref<128x64xf32, #tpu.memory_space<vmem>>
          %dma_wait3A_209 = arith.constant 0 : i32
          %dma_wait3A_210 = tpu.memref_slice %arg5[%sub3A_202, %dma_wait3A_209] : memref<40x128xi32, #tpu.memory_space<vmem>> -> memref<1x128xi32, #tpu.memory_space<vmem>>
          %dma_wait3A_211 = tpu.memref_squeeze %dma_wait3A_210 : memref<1x128xi32, #tpu.memory_space<vmem>> -> memref<128xi32, #tpu.memory_space<vmem>>
          %dma_wait3A_212 = arith.constant 0 : i32
          %dma_wait3A_213 = arith.constant 0 : i32
          %dma_wait3A_214 = tpu.memref_slice %arg7[%dma_wait3A_212, %dma_wait3A_213] : memref<1000x64xf32, #tpu.memory_space<vmem_shared>> -> memref<1000x64xf32, #tpu.memory_space<vmem_shared>>
          %dma_wait3A_215 = tpu.memref_slice %arg8[%dma_wait3A_204] : memref<4x!tpu.dma_semaphore, #tpu.memory_space<semaphore_mem>> -> memref<1x!tpu.dma_semaphore, #tpu.memory_space<semaphore_mem>>
          %dma_wait3A_216 = tpu.memref_squeeze %dma_wait3A_215 : memref<1x!tpu.dma_semaphore, #tpu.memory_space<semaphore_mem>> -> memref<!tpu.dma_semaphore, #tpu.memory_space<semaphore_mem>>
          tpu.wait_indirect_dma semaphore(%dma_wait3A_216 : memref<!tpu.dma_semaphore, #tpu.memory_space<semaphore_mem>>) src(%dma_wait3A_214 : memref<1000x64xf32, #tpu.memory_space<vmem_shared>>) dst(%dma_wait3A_208 : memref<128x64xf32, #tpu.memory_space<vmem>>)
          %sub3A_217 = arith.constant 2 : i32
          %sub3A_218 = arith.subi %add3A_151, %sub3A_217 : i32
          %mul3A_219 = arith.constant 128 : i32
          %mul3A_220 = arith.muli %sub3A_218, %mul3A_219 : i32
          %add3A_221 = arith.addi %mul3A_2, %mul3A_220 : i32
          %dma_start3A_222 = arith.constant 1 : i32
          %dma_start3A_223 = arith.constant 1 : i32
          %dma_start3A_224 = arith.constant 0 : i32
          %dma_start3A_225 = arith.constant 0 : i32
          %dma_start3A_226 = tpu.memref_slice %arg6[%dma_start3A_222, %dma_start3A_224, %dma_start3A_225] : memref<4x128x64xf32, #tpu.memory_space<vmem>> -> memref<1x128x64xf32, #tpu.memory_space<vmem>>
          %dma_start3A_227 = tpu.memref_squeeze %dma_start3A_226 : memref<1x128x64xf32, #tpu.memory_space<vmem>> -> memref<128x64xf32, #tpu.memory_space<vmem>>
          %dma_start3A_228 = arith.constant 0 : i32
          %dma_start3A_229 = tpu.memref_slice %arg4[%add3A_221, %dma_start3A_228] : memref<163840x64xf32, #tpu.memory_space<hbm>> -> memref<128x64xf32, #tpu.memory_space<hbm>>
          %dma_start3A_230 = tpu.memref_slice %arg9[%dma_start3A_223] : memref<4x!tpu.dma_semaphore, #tpu.memory_space<semaphore_mem>> -> memref<1x!tpu.dma_semaphore, #tpu.memory_space<semaphore_mem>>
          %dma_start3A_231 = tpu.memref_squeeze %dma_start3A_230 : memref<1x!tpu.dma_semaphore, #tpu.memory_space<semaphore_mem>> -> memref<!tpu.dma_semaphore, #tpu.memory_space<semaphore_mem>>
          %dma_start3A_232 = arith.constant 0 : i32
          %dma_start3A_233 = tpu.memref_slice %arg4[%add3A_221, %dma_start3A_232] : memref<163840x64xf32, #tpu.memory_space<hbm>> -> memref<128x64xf32, #tpu.memory_space<hbm>>
          %dma_start3A_234 = arith.constant 0 : i32
          %dma_start3A_235 = arith.constant 0 : i32
          %dma_start3A_236 = tpu.memref_slice %arg6[%dma_start3A_222, %dma_start3A_234, %dma_start3A_235] : memref<4x128x64xf32, #tpu.memory_space<vmem>> -> memref<1x128x64xf32, #tpu.memory_space<vmem>>
          %dma_start3A_237 = tpu.memref_squeeze %dma_start3A_236 : memref<1x128x64xf32, #tpu.memory_space<vmem>> -> memref<128x64xf32, #tpu.memory_space<vmem>>
          tpu.enqueue_dma source(%dma_start3A_237 : memref<128x64xf32, #tpu.memory_space<vmem>>) target(%dma_start3A_233 : memref<128x64xf32, #tpu.memory_space<hbm>>) target_semaphore(%dma_start3A_231 : memref<!tpu.dma_semaphore, #tpu.memory_space<semaphore_mem>>)
        } else {
        }
      } else {
      }
    }
    %scan3A_10 = arith.constant 40 : i32
    %dma_wait3A = arith.constant 38 : i32
    %dma_wait3A_11 = arith.constant 2 : i32
    %dma_wait3A_12 = arith.constant 2 : i32
    %dma_wait3A_13 = arith.constant 0 : i32
    %dma_wait3A_14 = arith.constant 0 : i32
    %dma_wait3A_15 = tpu.memref_slice %arg6[%dma_wait3A_11, %dma_wait3A_13, %dma_wait3A_14] : memref<4x128x64xf32, #tpu.memory_space<vmem>> -> memref<1x128x64xf32, #tpu.memory_space<vmem>>
    %dma_wait3A_16 = tpu.memref_squeeze %dma_wait3A_15 : memref<1x128x64xf32, #tpu.memory_space<vmem>> -> memref<128x64xf32, #tpu.memory_space<vmem>>
    %dma_wait3A_17 = arith.constant 0 : i32
    %dma_wait3A_18 = tpu.memref_slice %arg5[%dma_wait3A, %dma_wait3A_17] : memref<40x128xi32, #tpu.memory_space<vmem>> -> memref<1x128xi32, #tpu.memory_space<vmem>>
    %dma_wait3A_19 = tpu.memref_squeeze %dma_wait3A_18 : memref<1x128xi32, #tpu.memory_space<vmem>> -> memref<128xi32, #tpu.memory_space<vmem>>
    %dma_wait3A_20 = arith.constant 0 : i32
    %dma_wait3A_21 = arith.constant 0 : i32
    %dma_wait3A_22 = tpu.memref_slice %arg7[%dma_wait3A_20, %dma_wait3A_21] : memref<1000x64xf32, #tpu.memory_space<vmem_shared>> -> memref<1000x64xf32, #tpu.memory_space<vmem_shared>>
    %dma_wait3A_23 = tpu.memref_slice %arg8[%dma_wait3A_12] : memref<4x!tpu.dma_semaphore, #tpu.memory_space<semaphore_mem>> -> memref<1x!tpu.dma_semaphore, #tpu.memory_space<semaphore_mem>>
    %dma_wait3A_24 = tpu.memref_squeeze %dma_wait3A_23 : memref<1x!tpu.dma_semaphore, #tpu.memory_space<semaphore_mem>> -> memref<!tpu.dma_semaphore, #tpu.memory_space<semaphore_mem>>
    tpu.wait_indirect_dma semaphore(%dma_wait3A_24 : memref<!tpu.dma_semaphore, #tpu.memory_space<semaphore_mem>>) src(%dma_wait3A_22 : memref<1000x64xf32, #tpu.memory_space<vmem_shared>>) dst(%dma_wait3A_16 : memref<128x64xf32, #tpu.memory_space<vmem>>)
    %add3A_25 = arith.constant 4864 : i32
    %add3A_26 = arith.addi %mul3A_2, %add3A_25 : i32
    %dma_start3A = arith.constant 2 : i32
    %dma_start3A_27 = arith.constant 2 : i32
    %dma_start3A_28 = arith.constant 0 : i32
    %dma_start3A_29 = arith.constant 0 : i32
    %dma_start3A_30 = tpu.memref_slice %arg6[%dma_start3A, %dma_start3A_28, %dma_start3A_29] : memref<4x128x64xf32, #tpu.memory_space<vmem>> -> memref<1x128x64xf32, #tpu.memory_space<vmem>>
    %dma_start3A_31 = tpu.memref_squeeze %dma_start3A_30 : memref<1x128x64xf32, #tpu.memory_space<vmem>> -> memref<128x64xf32, #tpu.memory_space<vmem>>
    %dma_start3A_32 = arith.constant 0 : i32
    %dma_start3A_33 = tpu.memref_slice %arg4[%add3A_26, %dma_start3A_32] : memref<163840x64xf32, #tpu.memory_space<hbm>> -> memref<128x64xf32, #tpu.memory_space<hbm>>
    %dma_start3A_34 = tpu.memref_slice %arg9[%dma_start3A_27] : memref<4x!tpu.dma_semaphore, #tpu.memory_space<semaphore_mem>> -> memref<1x!tpu.dma_semaphore, #tpu.memory_space<semaphore_mem>>
    %dma_start3A_35 = tpu.memref_squeeze %dma_start3A_34 : memref<1x!tpu.dma_semaphore, #tpu.memory_space<semaphore_mem>> -> memref<!tpu.dma_semaphore, #tpu.memory_space<semaphore_mem>>
    %dma_start3A_36 = arith.constant 0 : i32
    %dma_start3A_37 = tpu.memref_slice %arg4[%add3A_26, %dma_start3A_36] : memref<163840x64xf32, #tpu.memory_space<hbm>> -> memref<128x64xf32, #tpu.memory_space<hbm>>
    %dma_start3A_38 = arith.constant 0 : i32
    %dma_start3A_39 = arith.constant 0 : i32
    %dma_start3A_40 = tpu.memref_slice %arg6[%dma_start3A, %dma_start3A_38, %dma_start3A_39] : memref<4x128x64xf32, #tpu.memory_space<vmem>> -> memref<1x128x64xf32, #tpu.memory_space<vmem>>
    %dma_start3A_41 = tpu.memref_squeeze %dma_start3A_40 : memref<1x128x64xf32, #tpu.memory_space<vmem>> -> memref<128x64xf32, #tpu.memory_space<vmem>>
    tpu.enqueue_dma source(%dma_start3A_41 : memref<128x64xf32, #tpu.memory_space<vmem>>) target(%dma_start3A_37 : memref<128x64xf32, #tpu.memory_space<hbm>>) target_semaphore(%dma_start3A_35 : memref<!tpu.dma_semaphore, #tpu.memory_space<semaphore_mem>>)
    %dma_wait3A_42 = arith.constant 39 : i32
    %dma_wait3A_43 = arith.constant 3 : i32
    %dma_wait3A_44 = arith.constant 3 : i32
    %dma_wait3A_45 = arith.constant 0 : i32
    %dma_wait3A_46 = arith.constant 0 : i32
    %dma_wait3A_47 = tpu.memref_slice %arg6[%dma_wait3A_43, %dma_wait3A_45, %dma_wait3A_46] : memref<4x128x64xf32, #tpu.memory_space<vmem>> -> memref<1x128x64xf32, #tpu.memory_space<vmem>>
    %dma_wait3A_48 = tpu.memref_squeeze %dma_wait3A_47 : memref<1x128x64xf32, #tpu.memory_space<vmem>> -> memref<128x64xf32, #tpu.memory_space<vmem>>
    %dma_wait3A_49 = arith.constant 0 : i32
    %dma_wait3A_50 = tpu.memref_slice %arg5[%dma_wait3A_42, %dma_wait3A_49] : memref<40x128xi32, #tpu.memory_space<vmem>> -> memref<1x128xi32, #tpu.memory_space<vmem>>
    %dma_wait3A_51 = tpu.memref_squeeze %dma_wait3A_50 : memref<1x128xi32, #tpu.memory_space<vmem>> -> memref<128xi32, #tpu.memory_space<vmem>>
    %dma_wait3A_52 = arith.constant 0 : i32
    %dma_wait3A_53 = arith.constant 0 : i32
    %dma_wait3A_54 = tpu.memref_slice %arg7[%dma_wait3A_52, %dma_wait3A_53] : memref<1000x64xf32, #tpu.memory_space<vmem_shared>> -> memref<1000x64xf32, #tpu.memory_space<vmem_shared>>
    %dma_wait3A_55 = tpu.memref_slice %arg8[%dma_wait3A_44] : memref<4x!tpu.dma_semaphore, #tpu.memory_space<semaphore_mem>> -> memref<1x!tpu.dma_semaphore, #tpu.memory_space<semaphore_mem>>
    %dma_wait3A_56 = tpu.memref_squeeze %dma_wait3A_55 : memref<1x!tpu.dma_semaphore, #tpu.memory_space<semaphore_mem>> -> memref<!tpu.dma_semaphore, #tpu.memory_space<semaphore_mem>>
    tpu.wait_indirect_dma semaphore(%dma_wait3A_56 : memref<!tpu.dma_semaphore, #tpu.memory_space<semaphore_mem>>) src(%dma_wait3A_54 : memref<1000x64xf32, #tpu.memory_space<vmem_shared>>) dst(%dma_wait3A_48 : memref<128x64xf32, #tpu.memory_space<vmem>>)
    %add3A_57 = arith.constant 4992 : i32
    %add3A_58 = arith.addi %mul3A_2, %add3A_57 : i32
    %dma_start3A_59 = arith.constant 3 : i32
    %dma_start3A_60 = arith.constant 3 : i32
    %dma_start3A_61 = arith.constant 0 : i32
    %dma_start3A_62 = arith.constant 0 : i32
    %dma_start3A_63 = tpu.memref_slice %arg6[%dma_start3A_59, %dma_start3A_61, %dma_start3A_62] : memref<4x128x64xf32, #tpu.memory_space<vmem>> -> memref<1x128x64xf32, #tpu.memory_space<vmem>>
    %dma_start3A_64 = tpu.memref_squeeze %dma_start3A_63 : memref<1x128x64xf32, #tpu.memory_space<vmem>> -> memref<128x64xf32, #tpu.memory_space<vmem>>
    %dma_start3A_65 = arith.constant 0 : i32
    %dma_start3A_66 = tpu.memref_slice %arg4[%add3A_58, %dma_start3A_65] : memref<163840x64xf32, #tpu.memory_space<hbm>> -> memref<128x64xf32, #tpu.memory_space<hbm>>
    %dma_start3A_67 = tpu.memref_slice %arg9[%dma_start3A_60] : memref<4x!tpu.dma_semaphore, #tpu.memory_space<semaphore_mem>> -> memref<1x!tpu.dma_semaphore, #tpu.memory_space<semaphore_mem>>
    %dma_start3A_68 = tpu.memref_squeeze %dma_start3A_67 : memref<1x!tpu.dma_semaphore, #tpu.memory_space<semaphore_mem>> -> memref<!tpu.dma_semaphore, #tpu.memory_space<semaphore_mem>>
    %dma_start3A_69 = arith.constant 0 : i32
    %dma_start3A_70 = tpu.memref_slice %arg4[%add3A_58, %dma_start3A_69] : memref<163840x64xf32, #tpu.memory_space<hbm>> -> memref<128x64xf32, #tpu.memory_space<hbm>>
    %dma_start3A_71 = arith.constant 0 : i32
    %dma_start3A_72 = arith.constant 0 : i32
    %dma_start3A_73 = tpu.memref_slice %arg6[%dma_start3A_59, %dma_start3A_71, %dma_start3A_72] : memref<4x128x64xf32, #tpu.memory_space<vmem>> -> memref<1x128x64xf32, #tpu.memory_space<vmem>>
    %dma_start3A_74 = tpu.memref_squeeze %dma_start3A_73 : memref<1x128x64xf32, #tpu.memory_space<vmem>> -> memref<128x64xf32, #tpu.memory_space<vmem>>
    tpu.enqueue_dma source(%dma_start3A_74 : memref<128x64xf32, #tpu.memory_space<vmem>>) target(%dma_start3A_70 : memref<128x64xf32, #tpu.memory_space<hbm>>) target_semaphore(%dma_start3A_68 : memref<!tpu.dma_semaphore, #tpu.memory_space<semaphore_mem>>)
    %add3A_75 = arith.constant 4608 : i32
    %add3A_76 = arith.addi %mul3A_2, %add3A_75 : i32
    %dma_wait3A_77 = arith.constant 0 : i32
    %dma_wait3A_78 = arith.constant 0 : i32
    %dma_wait3A_79 = arith.constant 0 : i32
    %dma_wait3A_80 = arith.constant 0 : i32
    %dma_wait3A_81 = tpu.memref_slice %arg6[%dma_wait3A_77, %dma_wait3A_79, %dma_wait3A_80] : memref<4x128x64xf32, #tpu.memory_space<vmem>> -> memref<1x128x64xf32, #tpu.memory_space<vmem>>
    %dma_wait3A_82 = tpu.memref_squeeze %dma_wait3A_81 : memref<1x128x64xf32, #tpu.memory_space<vmem>> -> memref<128x64xf32, #tpu.memory_space<vmem>>
    %dma_wait3A_83 = arith.constant 0 : i32
    %dma_wait3A_84 = tpu.memref_slice %arg4[%add3A_76, %dma_wait3A_83] : memref<163840x64xf32, #tpu.memory_space<hbm>> -> memref<128x64xf32, #tpu.memory_space<hbm>>
    %dma_wait3A_85 = tpu.memref_slice %arg9[%dma_wait3A_78] : memref<4x!tpu.dma_semaphore, #tpu.memory_space<semaphore_mem>> -> memref<1x!tpu.dma_semaphore, #tpu.memory_space<semaphore_mem>>
    %dma_wait3A_86 = tpu.memref_squeeze %dma_wait3A_85 : memref<1x!tpu.dma_semaphore, #tpu.memory_space<semaphore_mem>> -> memref<!tpu.dma_semaphore, #tpu.memory_space<semaphore_mem>>
    %dma_wait3A_87 = arith.constant 0 : i32
    %dma_wait3A_88 = tpu.memref_slice %arg4[%add3A_76, %dma_wait3A_87] : memref<163840x64xf32, #tpu.memory_space<hbm>> -> memref<128x64xf32, #tpu.memory_space<hbm>>
    %dma_wait3A_89 = arith.constant 0 : i32
    %dma_wait3A_90 = arith.constant 0 : i32
    %dma_wait3A_91 = tpu.memref_slice %arg6[%dma_wait3A_77, %dma_wait3A_89, %dma_wait3A_90] : memref<4x128x64xf32, #tpu.memory_space<vmem>> -> memref<1x128x64xf32, #tpu.memory_space<vmem>>
    %dma_wait3A_92 = tpu.memref_squeeze %dma_wait3A_91 : memref<1x128x64xf32, #tpu.memory_space<vmem>> -> memref<128x64xf32, #tpu.memory_space<vmem>>
    tpu.wait_dma2 semaphore(%dma_wait3A_86 : memref<!tpu.dma_semaphore, #tpu.memory_space<semaphore_mem>>) src(%dma_wait3A_92 : memref<128x64xf32, #tpu.memory_space<vmem>>) dst(%dma_wait3A_88 : memref<128x64xf32, #tpu.memory_space<hbm>>)
    %add3A_93 = arith.constant 4736 : i32
    %add3A_94 = arith.addi %mul3A_2, %add3A_93 : i32
    %dma_wait3A_95 = arith.constant 1 : i32
    %dma_wait3A_96 = arith.constant 1 : i32
    %dma_wait3A_97 = arith.constant 0 : i32
    %dma_wait3A_98 = arith.constant 0 : i32
    %dma_wait3A_99 = tpu.memref_slice %arg6[%dma_wait3A_95, %dma_wait3A_97, %dma_wait3A_98] : memref<4x128x64xf32, #tpu.memory_space<vmem>> -> memref<1x128x64xf32, #tpu.memory_space<vmem>>
    %dma_wait3A_100 = tpu.memref_squeeze %dma_wait3A_99 : memref<1x128x64xf32, #tpu.memory_space<vmem>> -> memref<128x64xf32, #tpu.memory_space<vmem>>
    %dma_wait3A_101 = arith.constant 0 : i32
    %dma_wait3A_102 = tpu.memref_slice %arg4[%add3A_94, %dma_wait3A_101] : memref<163840x64xf32, #tpu.memory_space<hbm>> -> memref<128x64xf32, #tpu.memory_space<hbm>>
    %dma_wait3A_103 = tpu.memref_slice %arg9[%dma_wait3A_96] : memref<4x!tpu.dma_semaphore, #tpu.memory_space<semaphore_mem>> -> memref<1x!tpu.dma_semaphore, #tpu.memory_space<semaphore_mem>>
    %dma_wait3A_104 = tpu.memref_squeeze %dma_wait3A_103 : memref<1x!tpu.dma_semaphore, #tpu.memory_space<semaphore_mem>> -> memref<!tpu.dma_semaphore, #tpu.memory_space<semaphore_mem>>
    %dma_wait3A_105 = arith.constant 0 : i32
    %dma_wait3A_106 = tpu.memref_slice %arg4[%add3A_94, %dma_wait3A_105] : memref<163840x64xf32, #tpu.memory_space<hbm>> -> memref<128x64xf32, #tpu.memory_space<hbm>>
    %dma_wait3A_107 = arith.constant 0 : i32
    %dma_wait3A_108 = arith.constant 0 : i32
    %dma_wait3A_109 = tpu.memref_slice %arg6[%dma_wait3A_95, %dma_wait3A_107, %dma_wait3A_108] : memref<4x128x64xf32, #tpu.memory_space<vmem>> -> memref<1x128x64xf32, #tpu.memory_space<vmem>>
    %dma_wait3A_110 = tpu.memref_squeeze %dma_wait3A_109 : memref<1x128x64xf32, #tpu.memory_space<vmem>> -> memref<128x64xf32, #tpu.memory_space<vmem>>
    tpu.wait_dma2 semaphore(%dma_wait3A_104 : memref<!tpu.dma_semaphore, #tpu.memory_space<semaphore_mem>>) src(%dma_wait3A_110 : memref<128x64xf32, #tpu.memory_space<vmem>>) dst(%dma_wait3A_106 : memref<128x64xf32, #tpu.memory_space<hbm>>)
    %add3A_111 = arith.constant 4864 : i32
    %add3A_112 = arith.addi %mul3A_2, %add3A_111 : i32
    %dma_wait3A_113 = arith.constant 2 : i32
    %dma_wait3A_114 = arith.constant 2 : i32
    %dma_wait3A_115 = arith.constant 0 : i32
    %dma_wait3A_116 = arith.constant 0 : i32
    %dma_wait3A_117 = tpu.memref_slice %arg6[%dma_wait3A_113, %dma_wait3A_115, %dma_wait3A_116] : memref<4x128x64xf32, #tpu.memory_space<vmem>> -> memref<1x128x64xf32, #tpu.memory_space<vmem>>
    %dma_wait3A_118 = tpu.memref_squeeze %dma_wait3A_117 : memref<1x128x64xf32, #tpu.memory_space<vmem>> -> memref<128x64xf32, #tpu.memory_space<vmem>>
    %dma_wait3A_119 = arith.constant 0 : i32
    %dma_wait3A_120 = tpu.memref_slice %arg4[%add3A_112, %dma_wait3A_119] : memref<163840x64xf32, #tpu.memory_space<hbm>> -> memref<128x64xf32, #tpu.memory_space<hbm>>
    %dma_wait3A_121 = tpu.memref_slice %arg9[%dma_wait3A_114] : memref<4x!tpu.dma_semaphore, #tpu.memory_space<semaphore_mem>> -> memref<1x!tpu.dma_semaphore, #tpu.memory_space<semaphore_mem>>
    %dma_wait3A_122 = tpu.memref_squeeze %dma_wait3A_121 : memref<1x!tpu.dma_semaphore, #tpu.memory_space<semaphore_mem>> -> memref<!tpu.dma_semaphore, #tpu.memory_space<semaphore_mem>>
    %dma_wait3A_123 = arith.constant 0 : i32
    %dma_wait3A_124 = tpu.memref_slice %arg4[%add3A_112, %dma_wait3A_123] : memref<163840x64xf32, #tpu.memory_space<hbm>> -> memref<128x64xf32, #tpu.memory_space<hbm>>
    %dma_wait3A_125 = arith.constant 0 : i32
    %dma_wait3A_126 = arith.constant 0 : i32
    %dma_wait3A_127 = tpu.memref_slice %arg6[%dma_wait3A_113, %dma_wait3A_125, %dma_wait3A_126] : memref<4x128x64xf32, #tpu.memory_space<vmem>> -> memref<1x128x64xf32, #tpu.memory_space<vmem>>
    %dma_wait3A_128 = tpu.memref_squeeze %dma_wait3A_127 : memref<1x128x64xf32, #tpu.memory_space<vmem>> -> memref<128x64xf32, #tpu.memory_space<vmem>>
    tpu.wait_dma2 semaphore(%dma_wait3A_122 : memref<!tpu.dma_semaphore, #tpu.memory_space<semaphore_mem>>) src(%dma_wait3A_128 : memref<128x64xf32, #tpu.memory_space<vmem>>) dst(%dma_wait3A_124 : memref<128x64xf32, #tpu.memory_space<hbm>>)
    %add3A_129 = arith.constant 4992 : i32
    %add3A_130 = arith.addi %mul3A_2, %add3A_129 : i32
    %dma_wait3A_131 = arith.constant 3 : i32
    %dma_wait3A_132 = arith.constant 3 : i32
    %dma_wait3A_133 = arith.constant 0 : i32
    %dma_wait3A_134 = arith.constant 0 : i32
    %dma_wait3A_135 = tpu.memref_slice %arg6[%dma_wait3A_131, %dma_wait3A_133, %dma_wait3A_134] : memref<4x128x64xf32, #tpu.memory_space<vmem>> -> memref<1x128x64xf32, #tpu.memory_space<vmem>>
    %dma_wait3A_136 = tpu.memref_squeeze %dma_wait3A_135 : memref<1x128x64xf32, #tpu.memory_space<vmem>> -> memref<128x64xf32, #tpu.memory_space<vmem>>
    %dma_wait3A_137 = arith.constant 0 : i32
    %dma_wait3A_138 = tpu.memref_slice %arg4[%add3A_130, %dma_wait3A_137] : memref<163840x64xf32, #tpu.memory_space<hbm>> -> memref<128x64xf32, #tpu.memory_space<hbm>>
    %dma_wait3A_139 = tpu.memref_slice %arg9[%dma_wait3A_132] : memref<4x!tpu.dma_semaphore, #tpu.memory_space<semaphore_mem>> -> memref<1x!tpu.dma_semaphore, #tpu.memory_space<semaphore_mem>>
    %dma_wait3A_140 = tpu.memref_squeeze %dma_wait3A_139 : memref<1x!tpu.dma_semaphore, #tpu.memory_space<semaphore_mem>> -> memref<!tpu.dma_semaphore, #tpu.memory_space<semaphore_mem>>
    %dma_wait3A_141 = arith.constant 0 : i32
    %dma_wait3A_142 = tpu.memref_slice %arg4[%add3A_130, %dma_wait3A_141] : memref<163840x64xf32, #tpu.memory_space<hbm>> -> memref<128x64xf32, #tpu.memory_space<hbm>>
    %dma_wait3A_143 = arith.constant 0 : i32
    %dma_wait3A_144 = arith.constant 0 : i32
    %dma_wait3A_145 = tpu.memref_slice %arg6[%dma_wait3A_131, %dma_wait3A_143, %dma_wait3A_144] : memref<4x128x64xf32, #tpu.memory_space<vmem>> -> memref<1x128x64xf32, #tpu.memory_space<vmem>>
    %dma_wait3A_146 = tpu.memref_squeeze %dma_wait3A_145 : memref<1x128x64xf32, #tpu.memory_space<vmem>> -> memref<128x64xf32, #tpu.memory_space<vmem>>
    tpu.wait_dma2 semaphore(%dma_wait3A_140 : memref<!tpu.dma_semaphore, #tpu.memory_space<semaphore_mem>>) src(%dma_wait3A_146 : memref<128x64xf32, #tpu.memory_space<vmem>>) dst(%dma_wait3A_142 : memref<128x64xf32, #tpu.memory_space<hbm>>)
    return
  }
}

</mosaic_0001>

<sc_bundles>
// kernel: kernel.3.cloned.1.call-start
scs
__scs_entry_jumppad:
0x0: {  	(pc) =	sbr.rel $0x88, $3  }
0x1: {  	(tag) =	ssettag $0x0;
	lr =	simm.s32 $0x1  }
0x2: {  	[smem:$0x3F9F] =	sst lr;
	_ =	strace $0xD0000000  }
0x3: {  	_ = 	snop  }
0x4: {  	_ = 	snop  }
0x5: {  	_ = 	snop  }
0x6: {  	_ = 	snop  }
0x7: {  	_ = 	snop  }
__scs_overlays_trampoline_lowered:
0x8: {  	[smem:$0x3FAE] =	sst s0  }
0x9: {  	[smem:$0x3FAF] =	sst s1  }
0xa: {  	[smem:$0x3FB0] =	sst s2  }
0xb: {  	[smem:$0x3FB1] =	sst s3  }
0xc: {  	[smem:$0x3FB2] =	sst s4  }
0xd: {  	[smem:$0x3FB3] =	sst s5  }
0xe: {  	[smem:$0x3FB4] =	sst s6  }
0xf: {  	[smem:$0x3FB5] =	sst s7  }
0x10: {  	[smem:$0x3FB6] =	sst s8  }
0x11: {  	[smem:$0x3FB7] =	sst s9;
	s0 =	simm.s32 @!p0 $0x0  }
0x12: {  	s1 =	sld [smem:$0x3F9D];
	s0 =	simm.s32 @p0 $0x1  }
0x13: {  	[smem:$0x3FB8] =	sst s0;
	s0 =	simm.s32 @!p1 $0x0  }
0x14: {  	s2 =	sld [smem:$0x3F9C];
	s0 =	simm.s32 @p1 $0x1  }
0x15: {  	[smem:$0x3FB9] =	sst s0;
	s0 =	simm.s32 @!p2 $0x0  }
0x16: {  	s3 =	sld [smem:$0x3FDB];
	s0 =	simm.s32 @p2 $0x1  }
0x17: {  	s4 =	simm.s32 $0x1BF5;
	[smem:$0x3FBB] =	sst s0  }
0x18: {  	s0 =	sld [smem:$0x3F9E];
	_ =	swait.ge [sflag:s4], $0x0  }
0x19: {  	s7 =	sld [smem:$0x3F9F]  }
0x1a: {  	s8 =	sadd.s32 $0xFFFFE003, lr  }
0x1b: {  	s9 =	sadd.s32 $0xFFFFFEF7, lr;
	s5 =	simm.s32 $0xFFFFFFFF;
	p2 =	slt.u32 s8, $0xFFFFF086  }
0x1c: {  	p1 =	slt.u32 s9, $0xF7A;
	s5 =	simm.s32 @!p2 $0x0  }
0x1d: {  	s5 =	simm.s32 @p1 $0x1;
	p0 =	seq.s32 s7, s2  }
0x1e: {  	s7 =	smul.u32 @!p0 $0xF7A, s2;
	p2 =	seq.s32 @!p0 s5, $0x0  }
0x1f: {  	s9 =	smul.u32 $0xF7A, s1;
	s8 =	simm.s32 @!p0 $0x1BF5;
	p2 =	por !p2, p0  }
0x20: {  	[sflag:s8] =	ssyncset.s32 @!p0 $0xFFFFF086;
	s6 =	sadd.s32 @!p0 s3, s7;
	s7 =	simm.s32 @!p0 $0x108  }
0x21: {  	s3 =	sadd.s32 s3, s9;
	s6 =	sadd.s32 @!p0 $0x88, s6;
	s7 =	simm.s32 @p2 $0x1082  }
0x22: {  	[simem:s7], [sflag:s8] =	dma.local @!p0 [hbm:s6], $0xF7A  }
0x23: {  	s9 =	sor.u32 $0xD0000000, s2;
	s6 =	simm.s32 $0x108;
	_ =	swait.ge @!p0 [sflag:s8], $0x0  }
0x24: {  	s3 =	sadd.s32 $0x88, s3;
	s6 =	simm.s32 @!p1 $0x1082;
	[sflag:s4] =	ssyncset.s32 $0xFFFFF086  }
0x25: {  	[simem:s6], [sflag:s4] =	dma.local [hbm:s3], $0xF7A  }
0x26: {  	[smem:$0x3F9F] =	sst s1;
	(tag) =	ssettag s2;
	_ =	strace s9  }
0x27: {  	s1 =	sld [smem:$0x3FAF]  }
0x28: {  	s2 =	sld [smem:$0x3FB0]  }
0x29: {  	s4 =	sld [smem:$0x3FB2]  }
0x2a: {  	p0 =	seq.s32 s5, $0x0;
	s5 =	sld [smem:$0x3FB3]  }
0x2b: {  	s6 =	sld [smem:$0x3FB4]  }
0x2c: {  	s7 =	sld [smem:$0x3FB5]  }
0x2d: {  	s3 =	simm.s32 $0x108;
	s8 =	sld [smem:$0x3FB6]  }
0x2e: {  	s3 =	simm.s32 @!p0 $0x1082;
	s9 =	sld [smem:$0x3FB7]  }
0x2f: {  	lr =	sadd.s32 s0, s3;
	s0 =	sld [smem:$0x3FAE]  }
0x30: {  	s3 =	sld [smem:$0x3FB1]  }
0x31: {  	[smem:$0x3FBA] =	sst s10  }
0x32: {  	s10 =	sld [smem:$0x3FB8];
	_ =	sdelay $0x3  }
0x33: {  	p0 =	seq.s32 s10, $0x1;
	s10 =	sld [smem:$0x3FBA];
	_ =	sdelay $0x3  }
0x34: {  	[smem:$0x3FBA] =	sst s10  }
0x35: {  	s10 =	sld [smem:$0x3FB9];
	_ =	sdelay $0x3  }
0x36: {  	p1 =	seq.s32 s10, $0x1;
	s10 =	sld [smem:$0x3FBA];
	_ =	sdelay $0x3  }
0x37: {  	[smem:$0x3FBA] =	sst s10  }
0x38: {  	s10 =	sld [smem:$0x3FBB]  }
0x39: {  	_ = 	snop;
	(pc) =	sbr.ind lr, $3  }
0x3a: {  	_ = 	snop  }
0x3b: {  	_ = 	snop  }
0x3c: {  	p2 =	seq.s32 s10, $0x1;
	s10 =	sld [smem:$0x3FBA]  }
0x3d: {  	_ =	shalt  }
0x3e: {  	_ =	shalt  }
0x3f: {  	_ =	shalt  }
0x40: {  	_ =	shalt  }
0x41: {  	_ =	shalt  }
0x42: {  	_ =	shalt  }
0x43: {  	_ =	shalt  }
0x44: {  	_ =	shalt  }
0x45: {  	_ =	shalt  }
0x46: {  	_ =	shalt  }
0x47: {  	_ =	shalt  }
0x48: {  	_ =	shalt  }
0x49: {  	_ =	shalt  }
0x4a: {  	_ =	shalt  }
0x4b: {  	_ =	shalt  }
0x4c: {  	_ =	shalt  }
0x4d: {  	_ =	shalt  }
0x4e: {  	_ =	shalt  }
0x4f: {  	_ =	shalt  }
0x50: {  	_ =	shalt  }
0x51: {  	_ =	shalt  }
0x52: {  	_ =	shalt  }
0x53: {  	_ =	shalt  }
0x54: {  	_ =	shalt  }
0x55: {  	_ =	shalt  }
0x56: {  	_ =	shalt  }
0x57: {  	_ =	shalt  }
0x58: {  	_ =	shalt  }
0x59: {  	_ =	shalt  }
0x5a: {  	_ =	shalt  }
0x5b: {  	_ =	shalt  }
0x5c: {  	_ =	shalt  }
0x5d: {  	_ =	shalt  }
0x5e: {  	_ =	shalt  }
0x5f: {  	_ =	shalt  }
0x60: {  	_ =	shalt  }
0x61: {  	_ =	shalt  }
0x62: {  	_ =	shalt  }
0x63: {  	_ =	shalt  }
0x64: {  	_ =	shalt  }
0x65: {  	_ =	shalt  }
0x66: {  	_ =	shalt  }
0x67: {  	_ =	shalt  }
0x68: {  	_ =	shalt  }
0x69: {  	_ =	shalt  }
0x6a: {  	_ =	shalt  }
0x6b: {  	_ =	shalt  }
0x6c: {  	_ =	shalt  }
0x6d: {  	_ =	shalt  }
0x6e: {  	_ =	shalt  }
0x6f: {  	_ =	shalt  }
0x70: {  	_ =	shalt  }
0x71: {  	_ =	shalt  }
0x72: {  	_ =	shalt  }
0x73: {  	_ =	shalt  }
0x74: {  	_ =	shalt  }
0x75: {  	_ =	shalt  }
0x76: {  	_ =	shalt  }
0x77: {  	_ =	shalt  }
0x78: {  	_ =	shalt  }
0x79: {  	_ =	shalt  }
0x7a: {  	_ =	shalt  }
0x7b: {  	_ =	shalt  }
0x7c: {  	_ =	shalt  }
0x7d: {  	_ =	shalt  }
0x7e: {  	_ =	shalt  }
0x7f: {  	_ =	shalt  }
0x80: {  	_ =	shalt  }
0x81: {  	_ =	shalt  }
0x82: {  	_ =	shalt  }
0x83: {  	_ =	shalt  }
0x84: {  	_ =	shalt  }
0x85: {  	_ =	shalt  }
0x86: {  	_ =	shalt  }
0x87: {  	_ =	shalt  }
.Lfunc_end0:
.L_simem_size_0:
called_computation.1_lowered:
.L_overlay_start_0:
0x88: {  	s2 =	sld [smem:$0x3FD9]  }
0x89: {  	s3 =	sld [smem:$0x3FFE];
	_ =	sdelay $0x1  }
0x8a: {  	s1 =	srdreg.scid  }
0x8b: {  	s0 =	sand.u32 $0x1, s1  }
0x8c: {  	s17 =	sshll.u32 s0, $0xA;
	s2 =	sadd.s32 s3, s2  }
0x8d: {  	s2 =	sadd.s32 s2, s17  }
0x8e: {  	[smem:$0x3FC6] =	sst s2  }
0x8f: {  	_ = 	snop  }
0x90: {  	s2 =	sld [smem:$0x3FD0];
	(tm) =	ssettm $0x1  }
0x91: {  	s18 =	sld [smem:$0x3FFB];
	_ =	sdelay $0x3  }
0x92: {  	_ =	strace s18  }
0x93: {  	s3 =	sld [smem:$0x3FFC];
	_ =	sdelay $0x3  }
0x94: {  	_ =	strace s3  }
0x95: {  	s3 =	sld [smem:$0x3FFD];
	_ =	sdelay $0x3  }
0x96: {  	_ =	strace s3  }
0x97: {  	_ =	strace $0x8FFFFFFF  }
0x98: {  	s19 =	sld [smem:$0x3FDB];
	_ =	sdelay $0x1  }
0x99: {  	s4 =	simm.s32 $_scs_section_size  }
0x9a: {  	s5 =	simm.s32 $_size__tile_overlayer_lowered;
	s6 =	simm.s32 $_tile_overlayer_lowered  }
0x9b: {  	s22 =	simm.s32 $0x1BFF;
	s21 =	sshll.u32 s6, $0x1;
	s3 =	sadd.s32 s4, s19  }
0x9c: {  	s7 =	simm.s32 $0x0;
	s20 =	sshll.u32 s5, $0x1;
	s5 =	sadd.s32 s21, s3  }
0x9d: {  	[timem:s7], [sflag:s22] =	dma.local [hbm:s5], s20  }
0x9e: {  	_ =	swait.ge [sflag:s22], s20  }
0x9f: {  	s4 =	ssub.s32 $0x0, s20;
	[sflag:s22] =	ssyncset.done $0x0  }
0xa0: {  	[sflag:s22] =	ssyncadd.s32 s4;
	_ =	sdelay $0x1  }
0xa1: {  	s23 =	simm.s32 $0x1B8B  }
0xa2: {  	_ =	swait.ge [sflag:s23], $0x1  }
0xa3: {  	[sflag:s23] =	ssyncset.done $0x0  }
0xa4: {  	s25 =	simm.s32 $0x1B8E;
	s24 =	sld [smem:$0x3FFE];
	[sflag:s23] =	ssyncadd.s32 $0xFFFFFFFF  }
0xa5: {  	s26 =	simm.s32 $execute0_lowered;
	[smem:$0x3FD2] =	sst s25  }
0xa6: {  	s5 =	sshll.u32 s26, $0x1;
	_ =	strace $0x80000046;
	[dreg:$0x1] =	wrdreg $0xFFFFFFFF  }
0xa7: {  	s28 =	simm.s32 $_size_execute0_lowered;
	s3 =	sadd.s32 s3, s5;
	[dreg:$0x0] =	wrdreg $0x0  }
0xa8: {  	s5 =	sshll.u32 s28, $0x1;
	[dreg:$0x2] =	wrdreg s3  }
0xa9: {  	[dreg:$0x3] =	wrdreg s5  }
0xaa: {  	[dreg:$0x4] =	wrdreg $0xC0  }
0xab: {  	_ =	task [dreg:s7], $0x5FFFF  }
0xac: {  	[dreg:$0x1] =	wrdreg $0xFFFFFFFF  }
0xad: {  	[dreg:$0x0] =	wrdreg $0x60  }
0xae: {  	[dreg:$0x2] =	wrdreg s24  }
0xaf: {  	[dreg:$0x3] =	wrdreg s2  }
0xb0: {  	[dreg:$0x4] =	wrdreg $0x94000  }
0xb1: {  	[dreg:$0x5] =	wrdreg $0x9  }
0xb2: {  	_ =	task.clear_ibuf [dreg:s7], $0x6FFFF;
	_ =	strace $0x90000046  }
0xb3: {  	s29 =	simm.s32 $0x9;
	_ =	strace $0x80000048  }
0xb4: {  	_ =	swait.ge [sflag:s29], $0x1  }
0xb5: {  	[sflag:s29] =	ssyncadd.s32 $0xFFFFFFFF  }
0xb6: {  	_ =	strace $0x90000048  }
0xb7: {  	_ =	sfence  }
0xb8: {  	s30 =	sld [smem:$0x0];
	_ =	sdelay $0x2  }
0xb9: {  	s31 =	sshll.u32 s1, $0xD;
	s1 =	sshrl.u32 s1, $0x2  }
0xba: {  	s3 =	sand.u32 $0x4000, s31;
	s1 =	sadd.s32 s1, s30  }
0xbb: {  	s0 =	sor.u32 s3, s0;
	s1 =	sshll.u32 s1, $0x11  }
0xbc: {  	s0 =	sor.u32 s1, s0  }
0xbd: {  	s0 =	sadd.s32 $0x8F2B, s0  }
0xbe: {  	[sflag:s0] =	ssyncadd.remote.s32 $0x1  }
0xbf: {  	_ =	sfence.sel $0xFFFF  }
0xc0: {  	[dreg:$0x0] =	wrdreg $0xFFFFFFFF;
	(pc) =	sbr.abs _section_cstart, $3  }
0xc1: {  	[dreg:$0x1] =	wrdreg $0xFFFFFFFF  }
0xc2: {  	_ =	task.clear_ibuf [dreg:s7], $0x2FFFF;
	_ =	strace $0x9FFFFFFF  }
0xc3: {  	(tm) =	ssettm $0x7FFFFFFF  }
tec
execute0_lowered:
.L_overlay_start_1:
0x0: {  	(tag) =	ssettag $0x1  }
0x1: {  	s4 =	rddreg [dreg:$0x0]  }
0x2: {  	s0 =	srdreg.scid;
	s1 =	rddreg [dreg:$0x1]  }
0x3: {  	s8 =	stileid.u32;
	s2 =	rddreg [dreg:$0x2]  }
0x4: {  	s3 =	simm.s32 $0x0;
	s14 =	simm.s32 $0x1400;
	s15 =	simm.s32 $0x3  }
0x5: {  	s16 =	simm.s32 $0x5400;
	s17 =	simm.s32 $0x6;
	s18 =	simm.s32 $0x3400  }
0x6: {  	s19 =	simm.s32 $0x4;
	s20 =	simm.s32 $0x7400;
	s21 =	simm.s32 $0x7  }
0x7: {  	s22 =	simm.s32 $0x8;
	s23 =	simm.s32 $0x1;
	s24 =	simm.s32 $0x2  }
0x8: {  	s25 =	simm.s32 $0x0;
	s5 =	sand.u32 $0x1, s0;
	s0 =	rddreg [dreg:$0x3]  }
0x9: {  	s31 =	sshll.u32 s8, $0x1;
	[smem:$0x7FF] =	sst s3;
	s10 =	smul.u32 $0x14000, s8  }
0xa: {  	s6 =	sor.u32 s5, s31;
	s9 =	ssub.s32 $0x2, s5;
	s13 =	smul.u32 $0xA000, s5  }
0xb: {  	p0 =	sne.s32 s8, $0x0;
	s7 =	smul.u32 $0x280, s6;
	s11 =	sshrl.u32 s9, $0x1  }
0xc: {  	_ =	strace $0x80000047;
	s6 =	smul.u32 $0x50000, s6;
	s9 =	ssub.s32 s9, s11  }
.Ltmp0:
0xd: {  	s10 =	sadd.s32 s13, s10;
	s11 =	simm.s32 $0x9;
	(pc) =	sbr.rel .LBB2_1-.Ltmp0, $4  }
0xe: {  	s13 =	simm.s32 $0x80;
	s7 =	sadd.s32 s7, s4;
	s4 =	sadd.s32 $0x800, s4  }
0xf: {  	s6 =	sshrl.u32 s6, $0x3;
	s8 =	smax.u32 s9, $0x1;
	s9 =	sadd.s32 $0x1FFFF800, s10  }
0x10: {  	s10 =	sshrl.u32 @!p0 s2, $0x3;
	s12 =	sadd.s32 s1, s6;
	s5 =	sadd.s32 $0x2800, s7  }
0x11: {  	s6 =	sadd.s32 $0x9800, s12;
	s7 =	sadd.s32 $0x9C00, s12;
	s12 =	simm.s32 $0x5  }
.LBB2_22:
0x12: {  	_ =	swait.ge [sflag:s15], $0x2000  }
0x13: {  	[sflag:s15] =	ssyncset.done $0x0  }
0x14: {  	[sflag:s15] =	ssyncadd.s32 $0xFFFFE000  }
0x15: {  	[hbm4b:s6+s3] =	stream.linear.scatter [tilespmem:s16], [sflag:$0x7], $0x2000, $0x38;
	[tilespmem:$0xA3A0] =	vst v63  }
0x16: {  	_ =	swait.ge [sflag:s19], $0x2000  }
0x17: {  	[sflag:s19] =	ssyncset.done $0x0  }
0x18: {  	[sflag:s19] =	ssyncadd.s32 $0xFFFFE000  }
0x19: {  	[hbm4b:s7+s3] =	stream.linear.scatter [tilespmem:s20], [sflag:$0x8], $0x2000, $0x38;
	[tilespmem:$0xA3A0] =	vst v63  }
0x1a: {  	_ =	swait.ge [sflag:s12], $0x2000  }
0x1b: {  	[sflag:s12] =	ssyncset.done $0x0  }
0x1c: {  	[sflag:s12] =	ssyncadd.s32 $0xFFFFE000  }
0x1d: {  	_ =	swait.ge [sflag:s17], $0x2000  }
0x1e: {  	[sflag:s17] =	ssyncset.done $0x0  }
0x1f: {  	s25 =	sadd.s32 $0x1, s25;
	[sflag:s17] =	ssyncadd.s32 $0xFFFFE000  }
0x20: {  	p1 =	sne.s32 s25, s8;
	_ =	swait.ge [sflag:s21], $0x2000  }
.Ltmp1:
0x21: {  	[sflag:s21] =	ssyncset.done $0x0;
	(pc) =	sbr.rel @!p1 .LBB2_23-.Ltmp1, $4  }
0x22: {  	[sflag:s21] =	ssyncadd.s32 $0xFFFFE000  }
0x23: {  	_ =	swait.ge [sflag:s22], $0x2000  }
0x24: {  	[sflag:s22] =	ssyncset.done $0x0  }
0x25: {  	[sflag:s22] =	ssyncadd.s32 $0xFFFFE000  }
.LBB2_1:
0x26: {  	s26 =	simm.s32 @!p0 $0x1C09  }
0x27: {  	[spmem:s10], [sflag:s26] =	dma.local @!p0 [hbm:s4], $0x1F40  }
0x28: {  	s26 =	simm.s32 @!p0 $0x9  }
0x29: {  	_ =	swait.ge @!p0 [sflag:s26], $0x1F40  }
0x2a: {  	[sflag:s26] =	ssyncset.done @!p0 $0x0  }
0x2b: {  	[sflag:s26] =	ssyncadd.s32 @!p0 $0xFFFFE0C0  }
0x2c: {  	[tilespmem:s3], [sflag:$0x9] =	stream.linear.gather [hbm4b:s5+s3], $0x1400, $0x38;
	[tilespmem:$0xA3A0] =	vst v63  }
.Ltmp2:
0x2d: {  	_ =	swait.ge [sflag:s11], $0x1400;
	(pc) =	sbr.rel .LBB2_2-.Ltmp2, $4  }
0x2e: {  	[sflag:s11] =	ssyncset.done $0x0  }
0x2f: {  	[sflag:s11] =	ssyncadd.s32 $0xFFFFEC00  }
0x30: {  	[bflag:$0x0] =	sbarrier.arrive $0xFFFF  }
0x31: {  	s28 =	simm.s32 $0x0;
	s29 =	simm.s32 $0x0;
	s26 =	smov.u32 s9  }
.LBB2_18:
0x32: {  	_ =	swait.ge [sflag:s22], $0x2000  }
0x33: {  	[sflag:s22] =	ssyncset.done $0x0  }
0x34: {  	[sflag:s22] =	ssyncadd.s32 $0xFFFFE000  }
0x35: {  	[tilespmem:s20], [sflag:$0x4] =	stream.indirect.gather [spmem:s2], $0x40, s28, s13, $0xb8;
	[tilespmem:$0xA3A0] =	vst v63  }
.LBB2_20:
0x36: {  	_ =	swait.ge [sflag:s24], $0x2000  }
0x37: {  	s30 =	sand.u32 $0x1FFFFC00, s26;
	[sflag:s24] =	ssyncset.done $0x0  }
0x38: {  	s30 =	sadd.s32 s1, s30;
	[sflag:s24] =	ssyncadd.s32 $0xFFFFE000  }
0x39: {  	[hbm4b:s30+s3] =	stream.linear.scatter [tilespmem:s18], [sflag:$0x6], $0x2000, $0x38;
	[tilespmem:$0xA3A0] =	vst v63  }
.LBB2_21:
0x3a: {  	s29 =	sadd.s32 $0x1, s29  }
0x3b: {  	p1 =	sne.s32 s29, $0x28  }
.Ltmp3:
0x3c: {  	_ = 	snop;
	(pc) =	sbr.rel @!p1 .LBB2_22-.Ltmp3, $2  }
0x3d: {  	_ =	sdelay $0x2  }
0x3e: {  	s28 =	sadd.s32 $0x80, s28;
	s26 =	sadd.s32 $0x400, s26  }
.LBB2_2:
0x3f: {  	s30 =	sand.u32 $0x3, s29  }
0x40: {  	p1 =	sgt.s32 s30, $0x1  }
.Ltmp4:
0x41: {  	_ = 	snop;
	(pc) =	sbr.rel @p1 .LBB2_16-.Ltmp4, $1  }
0x42: {  	_ =	sdelay $0x3  }
0x43: {  	p1 =	seq.s32 s30, $0x0  }
.Ltmp5:
0x44: {  	_ = 	snop;
	(pc) =	sbr.rel @!p1 .LBB2_8-.Ltmp5, $1  }
0x45: {  	_ =	sdelay $0x3  }
0x46: {  	p1 =	slt.u32 s29, $0x4  }
.Ltmp6:
0x47: {  	_ = 	snop;
	(pc) =	sbr.rel @p1 .LBB2_6-.Ltmp6, $1  }
0x48: {  	_ =	sdelay $0x3  }
.Ltmp7:
0x49: {  	(pc) =	sbr.rel .LBB2_7-.Ltmp7, $4  }
0x4a: {  	_ =	swait.ge [sflag:s12], $0x2000  }
0x4b: {  	[sflag:s12] =	ssyncset.done $0x0  }
0x4c: {  	[sflag:s12] =	ssyncadd.s32 $0xFFFFE000  }
0x4d: {  	[tilespmem:s14], [sflag:$0x1] =	stream.indirect.gather [spmem:s2], $0x40, s28, s13, $0xb8;
	[tilespmem:$0xA3A0] =	vst v63  }
.LBB2_16:
0x4e: {  	p2 =	seq.s32 s30, $0x2  }
.Ltmp8:
0x4f: {  	_ = 	snop;
	(pc) =	sbr.rel @!p2 .LBB2_17-.Ltmp8, $2  }
0x50: {  	_ =	sdelay $0x2  }
0x51: {  	p1 =	slt.u32 s29, $0x4  }
.Ltmp9:
0x52: {  	(pc) =	sbr.rel @p1 .LBB2_14-.Ltmp9, $1  }
0x53: {  	_ =	sdelay $0x3  }
.Ltmp10:
0x54: {  	(pc) =	sbr.rel .LBB2_15-.Ltmp10, $4  }
0x55: {  	_ =	swait.ge [sflag:s21], $0x2000  }
0x56: {  	[sflag:s21] =	ssyncset.done $0x0  }
0x57: {  	[sflag:s21] =	ssyncadd.s32 $0xFFFFE000  }
0x58: {  	[tilespmem:s16], [sflag:$0x3] =	stream.indirect.gather [spmem:s2], $0x40, s28, s13, $0xb8;
	[tilespmem:$0xA3A0] =	vst v63  }
.LBB2_8:
0x59: {  	p1 =	slt.u32 s29, $0x4  }
.Ltmp11:
0x5a: {  	_ = 	snop;
	(pc) =	sbr.rel @p1 .LBB2_10-.Ltmp11, $1  }
0x5b: {  	_ =	sdelay $0x3  }
.Ltmp12:
0x5c: {  	(pc) =	sbr.rel .LBB2_11-.Ltmp12, $4  }
0x5d: {  	_ =	swait.ge [sflag:s17], $0x2000  }
0x5e: {  	[sflag:s17] =	ssyncset.done $0x0  }
0x5f: {  	[sflag:s17] =	ssyncadd.s32 $0xFFFFE000  }
0x60: {  	[tilespmem:s18], [sflag:$0x2] =	stream.indirect.gather [spmem:s2], $0x40, s28, s13, $0xb8;
	[tilespmem:$0xA3A0] =	vst v63  }
.LBB2_17:
.Ltmp13:
0x61: {  	(pc) =	sbr.rel @!p1 .LBB2_18-.Ltmp13, $1  }
0x62: {  	_ =	sdelay $0x3  }
0x63: {  	p1 =	slt.u32 s29, $0x2  }
.Ltmp14:
0x64: {  	_ = 	snop;
	(pc) =	sbr.rel @p1 .LBB2_21-.Ltmp14, $4  }
.Ltmp15:
0x65: {  	_ = 	snop;
	(pc) =	sbr.rel @!p1 .LBB2_20-.Ltmp15, $4  }
0x66: {  	_ = 	snop  }
0x67: {  	_ = 	snop  }
0x68: {  	[tilespmem:s20], [sflag:$0x4] =	stream.indirect.gather [spmem:s2], $0x40, s28, s13, $0xb8;
	[tilespmem:$0xA3A0] =	vst v63  }
0x69: {  	_ = 	snop  }
.LBB2_6:
0x6a: {  	p1 =	slt.u32 s29, $0x2  }
.Ltmp16:
0x6b: {  	_ = 	snop;
	(pc) =	sbr.rel @p1 .LBB2_21-.Ltmp16, $2  }
0x6c: {  	_ =	sdelay $0x2  }
0x6d: {  	[tilespmem:s14], [sflag:$0x1] =	stream.indirect.gather [spmem:s2], $0x40, s28, s13, $0xb8;
	[tilespmem:$0xA3A0] =	vst v63  }
.LBB2_7:
.Ltmp17:
0x6e: {  	(pc) =	sbr.rel .LBB2_21-.Ltmp17, $4  }
0x6f: {  	_ =	swait.ge [sflag:s15], $0x2000  }
0x70: {  	s30 =	sand.u32 $0x1FFFFC00, s26;
	[sflag:s15] =	ssyncset.done $0x0  }
0x71: {  	s30 =	sadd.s32 s1, s30;
	[sflag:s15] =	ssyncadd.s32 $0xFFFFE000  }
0x72: {  	[hbm4b:s30+s3] =	stream.linear.scatter [tilespmem:s16], [sflag:$0x7], $0x2000, $0x38;
	[tilespmem:$0xA3A0] =	vst v63  }
.LBB2_14:
0x73: {  	p1 =	slt.u32 s29, $0x2  }
.Ltmp18:
0x74: {  	_ = 	snop;
	(pc) =	sbr.rel @p1 .LBB2_21-.Ltmp18, $2  }
0x75: {  	_ =	sdelay $0x2  }
0x76: {  	[tilespmem:s16], [sflag:$0x3] =	stream.indirect.gather [spmem:s2], $0x40, s28, s13, $0xb8;
	[tilespmem:$0xA3A0] =	vst v63  }
.LBB2_15:
.Ltmp19:
0x77: {  	(pc) =	sbr.rel .LBB2_21-.Ltmp19, $4  }
0x78: {  	_ =	swait.ge [sflag:s23], $0x2000  }
0x79: {  	s30 =	sand.u32 $0x1FFFFC00, s26;
	[sflag:s23] =	ssyncset.done $0x0  }
0x7a: {  	s30 =	sadd.s32 s1, s30;
	[sflag:s23] =	ssyncadd.s32 $0xFFFFE000  }
0x7b: {  	[hbm4b:s30+s3] =	stream.linear.scatter [tilespmem:s14], [sflag:$0x5], $0x2000, $0x38;
	[tilespmem:$0xA3A0] =	vst v63  }
.LBB2_10:
0x7c: {  	p1 =	slt.u32 s29, $0x2  }
.Ltmp20:
0x7d: {  	_ = 	snop;
	(pc) =	sbr.rel @p1 .LBB2_21-.Ltmp20, $2  }
0x7e: {  	_ =	sdelay $0x2  }
0x7f: {  	[tilespmem:s18], [sflag:$0x2] =	stream.indirect.gather [spmem:s2], $0x40, s28, s13, $0xb8;
	[tilespmem:$0xA3A0] =	vst v63  }
.LBB2_11:
.Ltmp21:
0x80: {  	(pc) =	sbr.rel .LBB2_21-.Ltmp21, $4  }
0x81: {  	_ =	swait.ge [sflag:s19], $0x2000  }
0x82: {  	s30 =	sand.u32 $0x1FFFFC00, s26;
	[sflag:s19] =	ssyncset.done $0x0  }
0x83: {  	s30 =	sadd.s32 s1, s30;
	[sflag:s19] =	ssyncadd.s32 $0xFFFFE000  }
0x84: {  	[hbm4b:s30+s3] =	stream.linear.scatter [tilespmem:s20], [sflag:$0x8], $0x2000, $0x38;
	[tilespmem:$0xA3A0] =	vst v63  }
.LBB2_23:
0x85: {  	_ =	sfence.sel $0x180000  }
0x86: {  	[bflag:$0x0] =	sbarrier.arrive $0xFFFF  }
0x87: {  	_ =	strace $0x90000047  }
0x88: {  	s0 =	sadd.s32 @!p0 $0x100000, s0;
	[bflag:$0x2] =	sbarrier.arrive $0xFFFF  }
0x89: {  	[sflag:s0] =	ssyncadd.tile.s32 @!p0 $0x1;
	_ =	shalt  }
.Lfunc_end2:
_tile_overlayer_lowered:
.L_overlay_start_2:
0x8a: {  	(tag) =	ssettag $0x2  }
0x8b: {  	s0 =	rddreg [dreg:$0x0];
	s2 =	stileid.u32  }
0x8c: {  	s1 =	rddreg [dreg:$0x1];
	p0 =	sne.s32 s2, $0x0  }
0x8d: {  	s3 =	rddreg [dreg:$0x2];
	[bflag:$0x3] =	sbarrier.arrive $0xFFFF;
	s2 =	simm.s32 @!p0 $0x1C09  }
0x8e: {  	[timem:s3], [sflag:s2] =	dma.local @!p0 [hbm:s0], s1  }
0x8f: {  	s0 =	simm.s32 @!p0 $0x9  }
0x90: {  	_ =	swait.ge @!p0 [sflag:s0], s1  }
0x91: {  	s1 =	ssub.s32 @!p0 $0x0, s1;
	[sflag:s0] =	ssyncset.done @!p0 $0x0  }
0x92: {  	[sflag:s0] =	ssyncadd.s32 @!p0 s1  }
0x93: {  	[bflag:$0x3] =	sbarrier.arrive $0xFFFF  }
0x94: {  	_ =	shalt  }

// kernel: sparse-core-data-format-call.cloned.1.call-start
scs
called_computation_lowered:
.L_overlay_start_0:
0x0: {  	s2 =	sld [smem:$0x3FD9]  }
0x1: {  	s3 =	sld [smem:$0x3FFE];
	_ =	sdelay $0x1  }
0x2: {  	s1 =	srdreg.scid  }
0x3: {  	s0 =	sand.u32 $0x1, s1  }
0x4: {  	s18 =	sshll.u32 s0, $0xA;
	s2 =	sadd.s32 s3, s2  }
0x5: {  	s2 =	sadd.s32 s2, s18  }
0x6: {  	[smem:$0x3FC6] =	sst s2  }
0x7: {  	_ = 	snop  }
0x8: {  	s2 =	sld [smem:$0x3FD0];
	(tm) =	ssettm $0x1  }
0x9: {  	s19 =	sld [smem:$0x3FFB];
	_ =	sdelay $0x3  }
0xa: {  	_ =	strace s19  }
0xb: {  	s3 =	sld [smem:$0x3FFC];
	_ =	sdelay $0x3  }
0xc: {  	_ =	strace s3  }
0xd: {  	s3 =	sld [smem:$0x3FFD];
	_ =	sdelay $0x3  }
0xe: {  	_ =	strace s3  }
0xf: {  	_ =	strace $0x8FFFFFFF  }
0x10: {  	s20 =	sld [smem:$0x3FDB];
	_ =	sdelay $0x1  }
0x11: {  	s4 =	simm.s32 $_scs_section_size  }
0x12: {  	s5 =	simm.s32 $_size__tile_overlayer_lowered;
	s6 =	simm.s32 $_tile_overlayer_lowered  }
0x13: {  	s23 =	simm.s32 $0x1BFF;
	s22 =	sshll.u32 s6, $0x1;
	s3 =	sadd.s32 s4, s20  }
0x14: {  	s7 =	simm.s32 $0x0;
	s21 =	sshll.u32 s5, $0x1;
	s5 =	sadd.s32 s22, s3  }
0x15: {  	[timem:s7], [sflag:s23] =	dma.local [hbm:s5], s21  }
0x16: {  	_ =	swait.ge [sflag:s23], s21  }
0x17: {  	s4 =	ssub.s32 $0x0, s21;
	[sflag:s23] =	ssyncset.done $0x0  }
0x18: {  	[sflag:s23] =	ssyncadd.s32 s4;
	_ =	sdelay $0x1  }
0x19: {  	s24 =	simm.s32 $0x1B8B  }
0x1a: {  	_ =	swait.ge [sflag:s24], $0x1  }
0x1b: {  	[sflag:s24] =	ssyncset.done $0x0  }
0x1c: {  	s26 =	simm.s32 $0x1B8E;
	s25 =	sld [smem:$0x3FFE];
	[sflag:s24] =	ssyncadd.s32 $0xFFFFFFFF  }
0x1d: {  	s27 =	simm.s32 $execute0_lowered;
	[smem:$0x3FD2] =	sst s26  }
0x1e: {  	s5 =	sshll.u32 s27, $0x1;
	_ =	strace $0x80000049;
	[dreg:$0x1] =	wrdreg $0xFFFFFFFF  }
0x1f: {  	s28 =	simm.s32 $_size_execute0_lowered;
	s3 =	sadd.s32 s3, s5;
	[dreg:$0x0] =	wrdreg $0x0  }
0x20: {  	s5 =	sshll.u32 s28, $0x1;
	[dreg:$0x2] =	wrdreg s3  }
0x21: {  	[dreg:$0x3] =	wrdreg s5  }
0x22: {  	[dreg:$0x4] =	wrdreg $0xC0  }
0x23: {  	_ =	task [dreg:s7], $0x5FFFF  }
0x24: {  	[dreg:$0x1] =	wrdreg $0xFFFFFFFF  }
0x25: {  	[dreg:$0x0] =	wrdreg $0x60  }
0x26: {  	[dreg:$0x2] =	wrdreg s25  }
0x27: {  	[dreg:$0x3] =	wrdreg s2  }
0x28: {  	[dreg:$0x4] =	wrdreg $0x9  }
0x29: {  	_ =	task.clear_ibuf [dreg:s7], $0x5FFFF;
	_ =	strace $0x90000049  }
0x2a: {  	s29 =	simm.s32 $0x9;
	_ =	strace $0x8000004B  }
0x2b: {  	_ =	swait.ge [sflag:s29], $0x1  }
0x2c: {  	[sflag:s29] =	ssyncadd.s32 $0xFFFFFFFF  }
0x2d: {  	_ =	strace $0x9000004B  }
0x2e: {  	_ =	sfence  }
0x2f: {  	s30 =	sld [smem:$0x0];
	_ =	sdelay $0x2  }
0x30: {  	s31 =	sshll.u32 s1, $0xD;
	s1 =	sshrl.u32 s1, $0x2  }
0x31: {  	s3 =	sand.u32 $0x4000, s31;
	s1 =	sadd.s32 s1, s30  }
0x32: {  	s0 =	sor.u32 s3, s0;
	s1 =	sshll.u32 s1, $0x11  }
0x33: {  	s0 =	sor.u32 s1, s0  }
0x34: {  	s0 =	sadd.s32 $0x8F2B, s0  }
0x35: {  	[sflag:s0] =	ssyncadd.remote.s32 $0x1  }
0x36: {  	_ =	sfence.sel $0xFFFF  }
0x37: {  	[dreg:$0x0] =	wrdreg $0xFFFFFFFF;
	(pc) =	sbr.abs _section_cstart, $3  }
0x38: {  	[dreg:$0x1] =	wrdreg $0xFFFFFFFF  }
0x39: {  	_ =	task.clear_ibuf [dreg:s7], $0x2FFFF;
	_ =	strace $0x9FFFFFFF  }
0x3a: {  	(tm) =	ssettm $0x7FFFFFFF  }
0x3b: {  	_ =	shalt  }
tec
execute0_lowered:
.L_overlay_start_1:
0x0: {  	(tag) =	ssettag $0x1  }
0x1: {  	s0 =	srdreg.scid  }
0x2: {  	s1 =	sshll.u32 s0, $0x4  }
0x3: {  	s0 =	stileid.u32;
	s1 =	sand.u32 $0x10, s1  }
0x4: {  	s1 =	sor.u32 s0, s1  }
0x5: {  	s6 =	rddreg [dreg:$0x0];
	s4 =	simm.s32 $0x1;
	s2 =	sshll.u32 s1, $0x7  }
0x6: {  	s7 =	simm.s32 $0x2;
	s12 =	simm.s32 $0x0;
	s1 =	ssub.s32 $0x4000, s2  }
0x7: {  	s8 =	simm.s32 $0x20000;
	s13 =	simm.s32 $0x0;
	s3 =	sand.u32 $0xF80, s1  }
0x8: {  	s9 =	simm.s32 $0x0;
	s5 =	sshrl.u32 s1, $0xC;
	p0 =	sne.s32 s3, $0x0  }
.Ltmp0:
0x9: {  	s1 =	rddreg [dreg:$0x2];
	s4 =	simm.s32 @!p0 $0x0;
	(pc) =	sbr.rel .LBB1_1-.Ltmp0, $4  }
0xa: {  	s11 =	simm.s32 $0x0;
	s3 =	rddreg [dreg:$0x1];
	s5 =	sadd.s32 s4, s5  }
0xb: {  	_ =	strace $0x8000004A;
	s4 =	simm.s32 $0x1;
	s5 =	smul.u32 $0xA, s5  }
0xc: {  	s6 =	sadd.s32 $0x800, s6;
	s10 =	smov.u32 s2;
	[sflag:s4] =	ssyncpa.u1 $0x0  }
0xd: {  	p0 =	por $0x0, $0x0;
	[sflag:s7] =	ssyncpa.u1 $0x0;
	s7 =	sor.u32 $0x1, s5  }
.LBB1_4:
0xe: {  	s16 =	sshll.u32 s13, $0x3;
	s17 =	sand.u32 $0x78, s13  }
0xf: {  	s30 =	sand.u32 $0x1F800, s13;
	s12 =	sshll.u32 s12, $0x11;
	s16 =	sand.u32 $0x3C00, s16  }
0x10: {  	[tilespmem:s15+$0x810 ss:$0x81] =	vst.msk $0xffff, v2;
	s31 =	sand.u32 $0x7, s13;
	s16 =	sor.u32 s17, s16;
	s17 =	sadd.s32 s3, s30  }
0x11: {  	[tilespmem:s15+$0x1020 ss:$0x81] =	vst.msk $0xffff, v0;
	s13 =	sshll.u32 s31, $0x12;
	s12 =	sadd.s32 s12, s17;
	s16 =	sshrl.u32 s16, $0x3  }
0x12: {  	[tilespmem:s15+$0x0 ss:$0x81] =	vst.msk $0xffff, v1;
	s13 =	sor.u32 $0x400, s13;
	s12 =	sadd.s32 s16, s12  }
0x13: {  	[hbm4b:s12+s13] =	stream.strided.scatter [tilespmem:s14], [sflag:$0x2], $0x2000, s8, s13, $0x20;
	[tilespmem:$0x8080] =	vst v63  }
.LBB1_5:
0x14: {  	s14 =	sadd.s32 $0x1, s9  }
0x15: {  	s12 =	sadd.s32 $0x1000, s10;
	s16 =	smov.u32 s10;
	p2 =	sgt.s32 s14, $0x9  }
0x16: {  	s16 =	smov.u32 @p2 s12  }
0x17: {  	s14 =	simm.s32 @p2 $0x0;
	p2 =	sgt.s32 s16, $0x3FFF  }
0x18: {  	s16 =	smov.u32 @p2 s2;
	p2 =	sne.s32 s11, s7  }
.Ltmp1:
0x19: {  	p1 =	slt.u32 s11, $0x2;
	(pc) =	sbr.rel @!p2 .LBB1_6-.Ltmp1, $4  }
0x1a: {  	s15 =	simm.s32 @!p1 $0x2  }
0x1b: {  	s13 =	smov.u32 s10;
	p0 =	por !p0, !p0;
	_ =	swait.ge @!p1 [sflag:s15], $0x2000  }
0x1c: {  	s12 =	smov.u32 s9;
	[sflag:s15] =	ssyncset.done @!p1 $0x0;
	s9 =	smov.u32 s14  }
0x1d: {  	s11 =	sadd.s32 $0x1, s11;
	[sflag:s15] =	ssyncadd.s32 @!p1 $0xFFFFE000;
	s10 =	smov.u32 s16  }
.LBB1_1:
0x1e: {  	p1 =	sge.u32 s11, s5  }
0x1f: {  	s31 =	sadd.s32 $0xFFFFFFFF, s11;
	s14 =	sxor.u32 @!p1 $0xFFFFFFFF, s11  }
0x20: {  	s15 =	sshll.u32 @!p1 s10, $0x8;
	s16 =	sshll.u32 @!p1 s9, $0x4;
	s17 =	simm.s32 @!p1 $0x800  }
0x21: {  	s14 =	sshll.u32 @!p1 s14, $0xD;
	s16 =	sand.u32 @!p1 $0xF0, s16;
	s15 =	sadd.s32 @!p1 s6, s15  }
0x22: {  	s14 =	sand.u32 @!p1 $0x2000, s14;
	s15 =	sadd.s32 @!p1 s16, s15;
	s16 =	simm.s32 @!p1 $0x40  }
0x23: {  	[tilespmem:s14], [sflag:$0x1] =	stream.strided.gather @!p1 [hbm4b:s15+s16], $0x2000, s17, s16, $0x38;
	[tilespmem:$0x8080] =	vst v63  }
0x24: {  	p1 =	sge.u32 s31, s5  }
.Ltmp2:
0x25: {  	_ = 	snop;
	(pc) =	sbr.rel @p1 .LBB1_5-.Ltmp2, $1  }
0x26: {  	_ =	sdelay $0x3  }
0x27: {  	s14 =	simm.s32 $0x1  }
0x28: {  	_ =	swait.ge [sflag:s4], $0x2000;
	s14 =	simm.s32 @!p0 $0x0  }
0x29: {  	[sflag:s4] =	ssyncset.done $0x0;
	s15 =	sshll.u32 s14, $0xD  }
0x2a: {  	[sflag:s4] =	ssyncadd.s32 $0xFFFFE000;
	s18 =	sor.u32 $0x20, s15  }
0x2b: {  	s14 =	smul.u32 $0x8100, s14;
	v3 =	vld [tilespmem:s18+$0x10]  }
0x2c: {  	s30 =	sand.u32 $0x1, s11;
	v2 =	vld [tilespmem:s18+$0xFFFFFFF0]  }
0x2d: {  	s15 =	smul.u32 $0x8100, s30;
	s14 =	sshrl.u32 s14, $0x2;
	v0 =	vld [tilespmem:s18+$0x0]  }
0x2e: {  	v1 =	vld [tilespmem:s18+$0xFFFFFFE0];
	s16 =	sor.u32 $0x4000, s14  }
0x2f: {  	s31 =	sshrl.u32 s15, $0x2;
	s15 =	sadd.s32 $0x0, s16  }
0x30: {  	s17 =	simm.s32 $0x4;
	s18 =	sadd.s32 $0x40, s18;
	s14 =	sor.u32 $0x4000, s31;
	[tilespmem:s15+$0x1830 ss:$0x81] =	vst.msk $0xffff, v3  }
.LBB1_3:
0x31: {  	v3 =	vld [tilespmem:s18+$0x10];
	p1 =	sne.s32 s17, $0x1FC;
	[tilespmem:s15+$0x810 ss:$0x81] =	vst.msk $0xffff, v2;
	s19 =	smov.u32 s17;
	s17 =	sadd.s32 $0x4, s17  }
.Ltmp3:
0x32: {  	v2 =	vld [tilespmem:s18+$0xFFFFFFF0];
	[tilespmem:s15+$0x1020 ss:$0x81] =	vst.msk $0xffff, v0;
	(pc) =	sbr.rel @p1 .LBB1_3-.Ltmp3, $4  }
0x33: {  	v0 =	vld [tilespmem:s18+$0x0];
	[tilespmem:s15+$0x0 ss:$0x81] =	vst.msk $0xffff, v1  }
0x34: {  	s15 =	sshra.s32 s19, $0x2;
	v1 =	vld [tilespmem:s18+$0xFFFFFFE0]  }
0x35: {  	s15 =	sadd.s32 s15, s16  }
0x36: {  	s18 =	sadd.s32 $0x40, s18;
	[tilespmem:s15+$0x1830 ss:$0x81] =	vst.msk $0xffff, v3  }
.Ltmp4:
0x37: {  	_ = 	snop;
	(pc) =	sbr.rel .LBB1_4-.Ltmp4, $1  }
0x38: {  	_ =	sdelay $0x3  }
.LBB1_6:
0x39: {  	_ =	sfence.sel $0x180000  }
0x3a: {  	s2 =	simm.s32 $0x1;
	[bflag:$0x0] =	sbarrier.arrive $0xFFFF  }
0x3b: {  	s31 =	simm.s32 $0x2;
	[sflag:s2] =	ssyncpa.u1 $0x1  }
0x3c: {  	[sflag:s31] =	ssyncpa.u1 $0x1  }
0x3d: {  	p0 =	sne.s32 s0, $0x0;
	_ =	strace $0x9000004A  }
0x3e: {  	s0 =	sadd.s32 @!p0 $0x100000, s1;
	[bflag:$0x2] =	sbarrier.arrive $0xFFFF  }
0x3f: {  	[sflag:s0] =	ssyncadd.tile.s32 @!p0 $0x1;
	_ =	shalt  }
.Lfunc_end1:
_tile_overlayer_lowered:
.L_overlay_start_2:
0x40: {  	(tag) =	ssettag $0x2  }
0x41: {  	s0 =	rddreg [dreg:$0x0];
	s2 =	stileid.u32  }
0x42: {  	s1 =	rddreg [dreg:$0x1];
	p0 =	sne.s32 s2, $0x0  }
0x43: {  	s3 =	rddreg [dreg:$0x2];
	[bflag:$0x3] =	sbarrier.arrive $0xFFFF;
	s2 =	simm.s32 @!p0 $0x1C01  }
0x44: {  	[timem:s3], [sflag:s2] =	dma.local @!p0 [hbm:s0], s1  }
0x45: {  	s0 =	simm.s32 @!p0 $0x1  }
0x46: {  	_ =	swait.ge @!p0 [sflag:s0], s1  }
0x47: {  	s1 =	ssub.s32 @!p0 $0x0, s1;
	[sflag:s0] =	ssyncset.done @!p0 $0x0  }
0x48: {  	[sflag:s0] =	ssyncadd.s32 @!p0 s1  }
0x49: {  	[bflag:$0x3] =	sbarrier.arrive $0xFFFF  }
0x4a: {  	_ =	shalt  }

</sc_bundles>
